<compile_context>
chip_gen: v7x
topology: tpu7x:2x2x1
jax: 0.10.2.dev20260603
libtpu: 0.0.44.dev20260713+nightly
codegen_flags: <defaults>
</compile_context>

<pallas_src>
import functools

import jax
import jax.numpy as jnp
from jax import lax
from jax.experimental import pallas as pl
from jax.experimental.pallas import tpu as pltpu, tpu_sc as plsc

_PRE_NMS_LIMIT = 6000
_PROPOSAL_COUNT = 1000
_NMS_THRESHOLD = 0.7
_STD = (0.1, 0.1, 0.2, 0.2)
_LANES = 128

_B = 4
_R = 160
_RL = _R * _LANES
_CHUNKS = 8
_CHUNK = _RL // _CHUNKS
_CR = 48
_C = _CR * _LANES


def _prep_kernel(s_ref, b0_ref, b1_ref, b2_ref, b3_ref,
                 a0_ref, a1_ref, a2_ref, a3_ref,
                 y1_ref, x1_ref, y2_ref, x2_ref, sc_ref, dst_ref):
    B, R, L = s_ref.shape
    s = s_ref[...]

    a0 = a0_ref[...]
    a1 = a1_ref[...]
    a2 = a2_ref[...]
    a3 = a3_ref[...]
    h = a2 - a0
    w = a3 - a1
    cy = a0 + 0.5 * h
    cx = a1 + 0.5 * w
    cy = cy + (b0_ref[...] * _STD[0]) * h
    cx = cx + (b1_ref[...] * _STD[1]) * w
    hh = h * jnp.exp(b2_ref[...] * _STD[2])
    ww = w * jnp.exp(b3_ref[...] * _STD[3])
    y1 = cy - 0.5 * hh
    x1 = cx - 0.5 * ww
    y2 = y1 + hh
    x2 = x1 + ww
    y1_ref[...] = jnp.clip(y1, 0.0, 1.0)
    x1_ref[...] = jnp.clip(x1, 0.0, 1.0)
    y2_ref[...] = jnp.clip(y2, 0.0, 1.0)
    x2_ref[...] = jnp.clip(x2, 0.0, 1.0)
    sc_ref[...] = s

    def bit_step(j, cur):
        bit = jnp.left_shift(jnp.int32(1), 30 - j)
        trial = jnp.bitwise_or(cur, bit)
        x = lax.bitcast_convert_type(trial, jnp.float32)
        cnt = jnp.sum(jnp.where(s >= x, 1.0, 0.0), axis=(1, 2), keepdims=True)
        return jnp.where(cnt >= jnp.float32(_PRE_NMS_LIMIT), trial, cur)

    vbits = lax.fori_loop(0, 31, bit_step, jnp.zeros((B, 1, 1), jnp.int32))
    v = lax.bitcast_convert_type(vbits, jnp.float32)

    gt = s > v
    eq = s == v
    count_gt = jnp.sum(jnp.where(gt, 1.0, 0.0), axis=(1, 2), keepdims=True)
    need = jnp.float32(_PRE_NMS_LIMIT) - count_gt

    u_in = jnp.where(lax.broadcasted_iota(jnp.int32, (L, L), 0)
                     <= lax.broadcasted_iota(jnp.int32, (L, L), 1),
                     1.0, 0.0)
    u_ex = jnp.where(lax.broadcasted_iota(jnp.int32, (R, R), 0)
                     < lax.broadcasted_iota(jnp.int32, (R, R), 1),
                     1.0, 0.0)

    def prefix(maskf):
        flat = maskf.reshape(B * R, L)
        rowcs = lax.dot_general(flat, u_in, (((1,), (0,)), ((), ())),
                                preferred_element_type=jnp.float32)
        rowcs = rowcs.reshape(B, R, L)
        rowtot = rowcs[:, :, L - 1]
        offs = lax.dot_general(rowtot, u_ex, (((1,), (0,)), ((), ())),
                               preferred_element_type=jnp.float32)
        return rowcs + offs[:, :, None]

    cs_eq = prefix(jnp.where(eq, 1.0, 0.0))
    valid = gt | (eq & (cs_eq <= need))
    cs_v = prefix(jnp.where(valid, 1.0, 0.0))
    dst_ref[...] = jnp.where(valid, cs_v.astype(jnp.int32) - 1, -1)


def _make_compact_kernel():
    mesh = plsc.VectorSubcoreMesh(core_axis_name="c", subcore_axis_name="s")
    out_t = [jax.ShapeDtypeStruct((_B, _CHUNKS, _C), jnp.float32)] * 5
    scratch = ([pltpu.VMEM((_CHUNK,), jnp.int32)]
               + [pltpu.VMEM((_CHUNK,), jnp.float32)] * 5
               + [pltpu.VMEM((_C,), jnp.float32)] * 5)

    @functools.partial(pl.kernel, mesh=mesh, out_type=out_t,
                       scratch_types=scratch,
                       compiler_params=pltpu.CompilerParams(
                           needs_layout_passes=False))
    def compact(dst_hbm, py1, px1, py2, px2, psc,
                oy1, ox1, oy2, ox2, osc,
                idx_v, sy1, sx1, sy2, sx2, ssc,
                dy1, dx1, dy2, dx2, dsc):
        wid = lax.axis_index("s") * 2 + lax.axis_index("c")
        b = wid // _CHUNKS
        ch = wid % _CHUNKS
        base = ch * _CHUNK

        pltpu.sync_copy(dst_hbm.at[b, pl.ds(base, _CHUNK)], idx_v)
        pltpu.sync_copy(py1.at[b, pl.ds(base, _CHUNK)], sy1)
        pltpu.sync_copy(px1.at[b, pl.ds(base, _CHUNK)], sx1)
        pltpu.sync_copy(py2.at[b, pl.ds(base, _CHUNK)], sy2)
        pltpu.sync_copy(px2.at[b, pl.ds(base, _CHUNK)], sx2)
        pltpu.sync_copy(psc.at[b, pl.ds(base, _CHUNK)], ssc)

        zeros16 = jnp.zeros((16,), jnp.float32)

        def zero_body(k, _):
            sl = pl.ds(k * 16, 16)
            dy1[sl] = zeros16
            dx1[sl] = zeros16
            dy2[sl] = zeros16
            dx2[sl] = zeros16
            dsc[sl] = zeros16
            return 0

        lax.fori_loop(0, _C // 16, zero_body, 0)

        def scat_body(j, _):
            sl = pl.ds(j * 16, 16)
            idx16 = idx_v[sl]
            m = idx16 >= 0
            plsc.store_scatter(dy1, [idx16], sy1[sl], mask=m)
            plsc.store_scatter(dx1, [idx16], sx1[sl], mask=m)
            plsc.store_scatter(dy2, [idx16], sy2[sl], mask=m)
            plsc.store_scatter(dx2, [idx16], sx2[sl], mask=m)
            plsc.store_scatter(dsc, [idx16], ssc[sl], mask=m)
            return 0

        lax.fori_loop(0, _CHUNK // 16, scat_body, 0)

        pltpu.sync_copy(dy1, oy1.at[b, ch])
        pltpu.sync_copy(dx1, ox1.at[b, ch])
        pltpu.sync_copy(dy2, oy2.at[b, ch])
        pltpu.sync_copy(dx2, ox2.at[b, ch])
        pltpu.sync_copy(dsc, osc.at[b, ch])

    return compact


_compact_call = _make_compact_kernel()


def _nms_kernel(y1_ref, x1_ref, y2_ref, x2_ref, s_ref,
                oy1_ref, ox1_ref, oy2_ref, ox2_ref, osc_ref):
    B = y1_ref.shape[0]

    def merge(ref):
        x = ref[...]
        acc = x[:, 0]
        for wv in range(1, _CHUNKS):
            acc = acc + x[:, wv]
        return acc

    y1 = merge(y1_ref)
    x1 = merge(x1_ref)
    y2 = merge(y2_ref)
    x2 = merge(x2_ref)
    s = merge(s_ref)
    areas = (y2 - y1) * (x2 - x1)

    pos = (lax.broadcasted_iota(jnp.int32, (B, _CR, _LANES), 1) * _LANES
           + lax.broadcasted_iota(jnp.int32, (B, _CR, _LANES), 2))

    zero_out = jnp.zeros((1, _PROPOSAL_COUNT, _LANES), jnp.float32)
    oy1_ref[...] = zero_out
    ox1_ref[...] = zero_out
    oy2_ref[...] = zero_out
    ox2_ref[...] = zero_out
    osc_ref[...] = zero_out

    NEG = jnp.float32(-1e30)
    BIGI = jnp.int32(2 ** 30)
    ms0 = jnp.where(pos < _PRE_NMS_LIMIT, s, NEG)

    def nms_step(i, ms):
        m1 = jnp.max(ms, axis=(1, 2), keepdims=True)
        has = m1 > jnp.float32(-1e29)
        cand = jnp.where(ms == m1, pos, BIGI)
        idx = jnp.min(cand, axis=(1, 2), keepdims=True)
        one = pos == idx
        by1 = jnp.sum(jnp.where(one, y1, 0.0), axis=(1, 2), keepdims=True)
        bx1 = jnp.sum(jnp.where(one, x1, 0.0), axis=(1, 2), keepdims=True)
        by2 = jnp.sum(jnp.where(one, y2, 0.0), axis=(1, 2), keepdims=True)
        bx2 = jnp.sum(jnp.where(one, x2, 0.0), axis=(1, 2), keepdims=True)

        yy1 = jnp.maximum(by1, y1)
        xx1 = jnp.maximum(bx1, x1)
        yy2 = jnp.minimum(by2, y2)
        xx2 = jnp.minimum(bx2, x2)
        inter = (jnp.maximum(yy2 - yy1, 0.0) * jnp.maximum(xx2 - xx1, 0.0))
        barea = (by2 - by1) * (bx2 - bx1)
        union = barea + areas - inter
        iou = inter / jnp.maximum(union, 1e-8)
        suppress = has & ((iou > _NMS_THRESHOLD) | one)
        ms = jnp.where(suppress, NEG, ms)

        def put(ref, val):
            row = jnp.broadcast_to(jnp.where(has, val, 0.0).reshape(1, 1),
                                   (1, _LANES))
            ref[0, pl.ds(i, 1), :] = row

        put(oy1_ref, by1)
        put(ox1_ref, bx1)
        put(oy2_ref, by2)
        put(ox2_ref, bx2)
        put(osc_ref, m1)
        return ms

    lax.fori_loop(0, _PROPOSAL_COUNT, nms_step, ms0)


@jax.jit
def kernel(rpn_probs, rpn_bbox, anchors):
    B, N, _ = rpn_probs.shape
    pad = _RL - N

    def prep(x, fill):
        return jnp.pad(x, ((0, 0), (0, pad)),
                       constant_values=fill).reshape(B, _R, _LANES)

    s = prep(rpn_probs[:, :, 1], -1.0)
    bb = [prep(rpn_bbox[:, :, k], 0.0) for k in range(4)]
    aa = [prep(anchors[:, :, k], 0.0) for k in range(4)]

    plane_t = jax.ShapeDtypeStruct((B, _R, _LANES), jnp.float32)
    y1p, x1p, y2p, x2p, scp, dstp = pl.pallas_call(
        _prep_kernel,
        out_shape=[plane_t] * 5 + [jax.ShapeDtypeStruct((B, _R, _LANES),
                                                        jnp.int32)],
    )(s, *bb, *aa)

    flat = lambda a: a.reshape(B, _RL)
    cy1, cx1, cy2, cx2, csc = _compact_call(
        flat(dstp), flat(y1p), flat(x1p), flat(y2p), flat(x2p), flat(scp))

    shaped = lambda a: a.reshape(B, _CHUNKS, _CR, _LANES)
    out_sds = [jax.ShapeDtypeStruct((B, _PROPOSAL_COUNT, _LANES),
                                    jnp.float32)] * 5
    in_spec = pl.BlockSpec((1, _CHUNKS, _CR, _LANES), lambda b: (b, 0, 0, 0))
    out_spec = pl.BlockSpec((1, _PROPOSAL_COUNT, _LANES), lambda b: (b, 0, 0))
    oy1, ox1, oy2, ox2, osc = pl.pallas_call(
        _nms_kernel,
        grid=(B,),
        in_specs=[in_spec] * 5,
        out_specs=[out_spec] * 5,
        out_shape=out_sds,
        compiler_params=pltpu.CompilerParams(
            dimension_semantics=("parallel",)),
    )(shaped(cy1), shaped(cx1), shaped(cy2), shaped(cx2), shaped(csc))

    proposals = jnp.stack([oy1[:, :, 0], ox1[:, :, 0],
                           oy2[:, :, 0], ox2[:, :, 0]], axis=-1)
    return proposals, osc[:, :, 0]

# --- scband reference (transcript-rebuilt; emitter-appended) ---
"""Pipeline reference for scband-proposal-layer-89103391523050 (READ-ONLY COPY).

The authoritative reference and input builder live on the scoring server;
editing this copy changes nothing except your own understanding.
"""

import jax, jax.numpy as jnp
import numpy as np

B = 4
N = 20000
PRE_NMS_LIMIT = 6000
PROPOSAL_COUNT = 1000
NMS_THRESHOLD = 0.7
RPN_BBOX_STD_DEV = np.array([0.1, 0.1, 0.2, 0.2], dtype=np.float32)


def setup_inputs(seed: int = 0) -> dict:
    key = jax.random.key(seed)
    k1, k2, k3 = jax.random.split(key, 3)
    rpn_probs = jax.random.uniform(k1, (B, N, 2), dtype=jnp.float32)
    rpn_bbox = jax.random.normal(k2, (B, N, 4), dtype=jnp.float32) * 0.1
    ka, kb = jax.random.split(k3)
    centers = jax.random.uniform(ka, (B, N, 2), minval=0.05, maxval=0.95, dtype=jnp.float32)
    sizes = jax.random.uniform(kb, (B, N, 2), minval=0.02, maxval=0.3, dtype=jnp.float32)
    y1 = centers[..., 0] - sizes[..., 0] * 0.5
    x1 = centers[..., 1] - sizes[..., 1] * 0.5
    y2 = centers[..., 0] + sizes[..., 0] * 0.5
    x2 = centers[..., 1] + sizes[..., 1] * 0.5
    anchors = jnp.stack([y1, x1, y2, x2], axis=-1)
    return {"rpn_probs": rpn_probs, "rpn_bbox": rpn_bbox, "anchors": anchors}


def apply_box_deltas(boxes, deltas):
    height = boxes[..., 2] - boxes[..., 0]
    width = boxes[..., 3] - boxes[..., 1]
    center_y = boxes[..., 0] + 0.5 * height
    center_x = boxes[..., 1] + 0.5 * width
    center_y = center_y + deltas[..., 0] * height
    center_x = center_x + deltas[..., 1] * width
    height = height * jnp.exp(deltas[..., 2])
    width = width * jnp.exp(deltas[..., 3])
    y1 = center_y - 0.5 * height
    x1 = center_x - 0.5 * width
    y2 = y1 + height
    x2 = x1 + width
    return jnp.stack([y1, x1, y2, x2], axis=-1)


def iou_one_to_many(box, boxes):
    yy1 = jnp.maximum(box[0], boxes[:, 0])
    xx1 = jnp.maximum(box[1], boxes[:, 1])
    yy2 = jnp.minimum(box[2], boxes[:, 2])
    xx2 = jnp.minimum(box[3], boxes[:, 3])
    inter = jnp.maximum(yy2 - yy1, 0.0) * jnp.maximum(xx2 - xx1, 0.0)
    area1 = (box[2] - box[0]) * (box[3] - box[1])
    areas = (boxes[:, 2] - boxes[:, 0]) * (boxes[:, 3] - boxes[:, 1])
    union = area1 + areas - inter
    return inter / jnp.maximum(union, 1e-8)


def nms_single(boxes, scores):
    # boxes/scores are sorted descending by score (from top_k), so greedy NMS
    # picks the first still-valid box each step.
    n = boxes.shape[0]
    idxs = jnp.arange(n)

    def step(valid, _):
        has = jnp.any(valid)
        idx = jnp.argmax(valid)
        box = boxes[idx]
        sc = scores[idx]
        out_box = jnp.where(has, box, jnp.zeros(4, boxes.dtype))
        out_sc = jnp.where(has, sc, jnp.array(0.0, scores.dtype))
        ious = iou_one_to_many(box, boxes)
        new_valid = valid & (ious <= NMS_THRESHOLD) & (idxs != idx)
        valid = jnp.where(has, new_valid, valid)
        return valid, (out_box, out_sc)

    _, (sel_boxes, sel_scores) = jax.lax.scan(step, jnp.ones((n,), dtype=bool), None, length=PROPOSAL_COUNT)
    return sel_boxes, sel_scores


def reference(rpn_probs, rpn_bbox, anchors):
    scores = rpn_probs[:, :, 1]
    deltas = rpn_bbox * jnp.asarray(RPN_BBOX_STD_DEV).reshape(1, 1, 4)
    pre_nms_limit = min(PRE_NMS_LIMIT, anchors.shape[1])
    top_scores, ix = jax.lax.top_k(scores, pre_nms_limit)
    deltas_g = jnp.take_along_axis(deltas, ix[..., None], axis=1)
    anchors_g = jnp.take_along_axis(anchors, ix[..., None], axis=1)
    boxes = apply_box_deltas(anchors_g, deltas_g)
    boxes = jnp.clip(boxes, 0.0, 1.0)
    proposals, out_scores = jax.vmap(nms_single)(boxes, top_scores)
    return proposals, out_scores

if __name__ == "__main__":
    import jax
    _d = setup_inputs()
    print(jax.jit(kernel)(*tuple(_d.values())))

</pallas_src>

<mosaic_0001>
#map = affine_map<(d0, d1) -> (0, 0)>
#map1 = affine_map<(d0, d1) -> (0, 0, 0)>
module attributes {stable_mosaic.version = 14 : i64} {
  func.func @compact(%arg0: i32, %arg1: i32, %arg2: memref<4x20480xi32, #tpu.memory_space<hbm>>, %arg3: memref<4x20480xf32, #tpu.memory_space<hbm>>, %arg4: memref<4x20480xf32, #tpu.memory_space<hbm>>, %arg5: memref<4x20480xf32, #tpu.memory_space<hbm>>, %arg6: memref<4x20480xf32, #tpu.memory_space<hbm>>, %arg7: memref<4x20480xf32, #tpu.memory_space<hbm>>, %arg8: memref<4x8x6144xf32, #tpu.memory_space<hbm>>, %arg9: memref<4x8x6144xf32, #tpu.memory_space<hbm>>, %arg10: memref<4x8x6144xf32, #tpu.memory_space<hbm>>, %arg11: memref<4x8x6144xf32, #tpu.memory_space<hbm>>, %arg12: memref<4x8x6144xf32, #tpu.memory_space<hbm>>, %arg13: memref<2560xi32, #tpu.memory_space<vmem>>, %arg14: memref<2560xf32, #tpu.memory_space<vmem>>, %arg15: memref<2560xf32, #tpu.memory_space<vmem>>, %arg16: memref<2560xf32, #tpu.memory_space<vmem>>, %arg17: memref<2560xf32, #tpu.memory_space<vmem>>, %arg18: memref<2560xf32, #tpu.memory_space<vmem>>, %arg19: memref<6144xf32, #tpu.memory_space<vmem>>, %arg20: memref<6144xf32, #tpu.memory_space<vmem>>, %arg21: memref<6144xf32, #tpu.memory_space<vmem>>, %arg22: memref<6144xf32, #tpu.memory_space<vmem>>, %arg23: memref<6144xf32, #tpu.memory_space<vmem>>) attributes {dimension_semantics = [#tpu.dimension_semantics<core_parallel>, #tpu.dimension_semantics<subcore_parallel>], iteration_bounds = array<i64: 2, 16>, scalar_prefetch = 0 : i64, scratch_operands = 11 : i64, tpu.core_type = #tpu.core_type<sc_vector_subcore>, window_params = [{transform_indices = #map}, {transform_indices = #map}, {transform_indices = #map}, {transform_indices = #map}, {transform_indices = #map}, {transform_indices = #map}, {transform_indices = #map1}, {transform_indices = #map1}, {transform_indices = #map1}, {transform_indices = #map1}, {transform_indices = #map1}]} {
    %mul3A = arith.constant 2 : i32
    %mul3A_0 = arith.muli %arg1, %mul3A : i32
    %add3A = arith.addi %mul3A_0, %arg0 : i32
    %jit3A = arith.constant 8 : i32
    %div3A = arith.divsi %add3A, %jit3A : i32
    %sign3A = arith.constant 0 : i32
    %sign3A_1 = arith.cmpi sgt, %add3A, %sign3A : i32
    %sign3A_2 = arith.extui %sign3A_1 : i1 to i32
    %sign3A_3 = arith.constant 0 : i32
    %sign3A_4 = arith.cmpi slt, %add3A, %sign3A_3 : i32
    %sign3A_5 = arith.extui %sign3A_4 : i1 to i32
    %sign3A_6 = arith.subi %sign3A_2, %sign3A_5 : i32
    %sign3A_7 = arith.constant 0 : i32
    %sign3A_8 = arith.cmpi sgt, %jit3A, %sign3A_7 : i32
    %sign3A_9 = arith.extui %sign3A_8 : i1 to i32
    %sign3A_10 = arith.constant 0 : i32
    %sign3A_11 = arith.cmpi slt, %jit3A, %sign3A_10 : i32
    %sign3A_12 = arith.extui %sign3A_11 : i1 to i32
    %sign3A_13 = arith.subi %sign3A_9, %sign3A_12 : i32
    %ne3A = arith.cmpi ne, %sign3A_6, %sign3A_13 : i32
    %rem3A = arith.remsi %add3A, %jit3A : i32
    %ne3A_14 = arith.constant 0 : i32
    %ne3A_15 = arith.cmpi ne, %rem3A, %ne3A_14 : i32
    %and3A = arith.andi %ne3A, %ne3A_15 : i1
    %sub3A = arith.constant 1 : i32
    %sub3A_16 = arith.subi %div3A, %sub3A : i32
    %select_n3A = arith.select %and3A, %sub3A_16, %div3A : i32
    %jit3A_17 = arith.constant 8 : i32
    %eq3A = arith.constant 0 : i32
    %eq3A_18 = arith.cmpi eq, %jit3A_17, %eq3A : i32
    %jit3A_19 = arith.constant 1 : i32
    %select_n3A_20 = arith.select %eq3A_18, %jit3A_19, %jit3A_17 : i32
    %rem3A_21 = arith.remsi %add3A, %select_n3A_20 : i32
    %ne3A_22 = arith.constant 0 : i32
    %ne3A_23 = arith.cmpi ne, %rem3A_21, %ne3A_22 : i32
    %lt3A = arith.constant 0 : i32
    %lt3A_24 = arith.cmpi slt, %rem3A_21, %lt3A : i32
    %lt3A_25 = arith.constant 0 : i32
    %lt3A_26 = arith.cmpi slt, %select_n3A_20, %lt3A_25 : i32
    %ne3A_27 = arith.xori %lt3A_24, %lt3A_26 : i1
    %and3A_28 = arith.andi %ne3A_27, %ne3A_23 : i1
    %add3A_29 = arith.addi %rem3A_21, %select_n3A_20 : i32
    %select_n3A_30 = arith.select %and3A_28, %add3A_29, %rem3A_21 : i32
    %mul3A_31 = arith.constant 2560 : i32
    %mul3A_32 = arith.muli %select_n3A_30, %mul3A_31 : i32
    "tpu.region"() ({
      %run_scoped3A = tpu.sem_alloc : memref<!tpu.dma_semaphore, #tpu.memory_space<semaphore_mem>>
      %dma_start3A = tpu.memref_slice %arg2[%select_n3A, %mul3A_32] : memref<4x20480xi32, #tpu.memory_space<hbm>> -> memref<1x2560xi32, #tpu.memory_space<hbm>>
      %dma_start3A_47 = tpu.memref_squeeze %dma_start3A : memref<1x2560xi32, #tpu.memory_space<hbm>> -> memref<2560xi32, #tpu.memory_space<hbm>>
      %dma_start3A_48 = tpu.memref_slice %arg2[%select_n3A, %mul3A_32] : memref<4x20480xi32, #tpu.memory_space<hbm>> -> memref<1x2560xi32, #tpu.memory_space<hbm>>
      %dma_start3A_49 = tpu.memref_squeeze %dma_start3A_48 : memref<1x2560xi32, #tpu.memory_space<hbm>> -> memref<2560xi32, #tpu.memory_space<hbm>>
      tpu.enqueue_dma source(%dma_start3A_49 : memref<2560xi32, #tpu.memory_space<hbm>>) target(%arg13 : memref<2560xi32, #tpu.memory_space<vmem>>) target_semaphore(%run_scoped3A : memref<!tpu.dma_semaphore, #tpu.memory_space<semaphore_mem>>)
      %dma_wait3A = tpu.memref_slice %arg2[%select_n3A, %mul3A_32] : memref<4x20480xi32, #tpu.memory_space<hbm>> -> memref<1x2560xi32, #tpu.memory_space<hbm>>
      %dma_wait3A_50 = tpu.memref_squeeze %dma_wait3A : memref<1x2560xi32, #tpu.memory_space<hbm>> -> memref<2560xi32, #tpu.memory_space<hbm>>
      %dma_wait3A_51 = tpu.memref_slice %arg2[%select_n3A, %mul3A_32] : memref<4x20480xi32, #tpu.memory_space<hbm>> -> memref<1x2560xi32, #tpu.memory_space<hbm>>
      %dma_wait3A_52 = tpu.memref_squeeze %dma_wait3A_51 : memref<1x2560xi32, #tpu.memory_space<hbm>> -> memref<2560xi32, #tpu.memory_space<hbm>>
      tpu.wait_dma2 semaphore(%run_scoped3A : memref<!tpu.dma_semaphore, #tpu.memory_space<semaphore_mem>>) src(%dma_wait3A_52 : memref<2560xi32, #tpu.memory_space<hbm>>) dst(%arg13 : memref<2560xi32, #tpu.memory_space<vmem>>)
      tpu.yield
    }) : () -> ()
    "tpu.region"() ({
      %run_scoped3A = tpu.sem_alloc : memref<!tpu.dma_semaphore, #tpu.memory_space<semaphore_mem>>
      %dma_start3A = tpu.memref_slice %arg3[%select_n3A, %mul3A_32] : memref<4x20480xf32, #tpu.memory_space<hbm>> -> memref<1x2560xf32, #tpu.memory_space<hbm>>
      %dma_start3A_47 = tpu.memref_squeeze %dma_start3A : memref<1x2560xf32, #tpu.memory_space<hbm>> -> memref<2560xf32, #tpu.memory_space<hbm>>
      %dma_start3A_48 = tpu.memref_slice %arg3[%select_n3A, %mul3A_32] : memref<4x20480xf32, #tpu.memory_space<hbm>> -> memref<1x2560xf32, #tpu.memory_space<hbm>>
      %dma_start3A_49 = tpu.memref_squeeze %dma_start3A_48 : memref<1x2560xf32, #tpu.memory_space<hbm>> -> memref<2560xf32, #tpu.memory_space<hbm>>
      tpu.enqueue_dma source(%dma_start3A_49 : memref<2560xf32, #tpu.memory_space<hbm>>) target(%arg14 : memref<2560xf32, #tpu.memory_space<vmem>>) target_semaphore(%run_scoped3A : memref<!tpu.dma_semaphore, #tpu.memory_space<semaphore_mem>>)
      %dma_wait3A = tpu.memref_slice %arg3[%select_n3A, %mul3A_32] : memref<4x20480xf32, #tpu.memory_space<hbm>> -> memref<1x2560xf32, #tpu.memory_space<hbm>>
      %dma_wait3A_50 = tpu.memref_squeeze %dma_wait3A : memref<1x2560xf32, #tpu.memory_space<hbm>> -> memref<2560xf32, #tpu.memory_space<hbm>>
      %dma_wait3A_51 = tpu.memref_slice %arg3[%select_n3A, %mul3A_32] : memref<4x20480xf32, #tpu.memory_space<hbm>> -> memref<1x2560xf32, #tpu.memory_space<hbm>>
      %dma_wait3A_52 = tpu.memref_squeeze %dma_wait3A_51 : memref<1x2560xf32, #tpu.memory_space<hbm>> -> memref<2560xf32, #tpu.memory_space<hbm>>
      tpu.wait_dma2 semaphore(%run_scoped3A : memref<!tpu.dma_semaphore, #tpu.memory_space<semaphore_mem>>) src(%dma_wait3A_52 : memref<2560xf32, #tpu.memory_space<hbm>>) dst(%arg14 : memref<2560xf32, #tpu.memory_space<vmem>>)
      tpu.yield
    }) : () -> ()
    "tpu.region"() ({
      %run_scoped3A = tpu.sem_alloc : memref<!tpu.dma_semaphore, #tpu.memory_space<semaphore_mem>>
      %dma_start3A = tpu.memref_slice %arg4[%select_n3A, %mul3A_32] : memref<4x20480xf32, #tpu.memory_space<hbm>> -> memref<1x2560xf32, #tpu.memory_space<hbm>>
      %dma_start3A_47 = tpu.memref_squeeze %dma_start3A : memref<1x2560xf32, #tpu.memory_space<hbm>> -> memref<2560xf32, #tpu.memory_space<hbm>>
      %dma_start3A_48 = tpu.memref_slice %arg4[%select_n3A, %mul3A_32] : memref<4x20480xf32, #tpu.memory_space<hbm>> -> memref<1x2560xf32, #tpu.memory_space<hbm>>
      %dma_start3A_49 = tpu.memref_squeeze %dma_start3A_48 : memref<1x2560xf32, #tpu.memory_space<hbm>> -> memref<2560xf32, #tpu.memory_space<hbm>>
      tpu.enqueue_dma source(%dma_start3A_49 : memref<2560xf32, #tpu.memory_space<hbm>>) target(%arg15 : memref<2560xf32, #tpu.memory_space<vmem>>) target_semaphore(%run_scoped3A : memref<!tpu.dma_semaphore, #tpu.memory_space<semaphore_mem>>)
      %dma_wait3A = tpu.memref_slice %arg4[%select_n3A, %mul3A_32] : memref<4x20480xf32, #tpu.memory_space<hbm>> -> memref<1x2560xf32, #tpu.memory_space<hbm>>
      %dma_wait3A_50 = tpu.memref_squeeze %dma_wait3A : memref<1x2560xf32, #tpu.memory_space<hbm>> -> memref<2560xf32, #tpu.memory_space<hbm>>
      %dma_wait3A_51 = tpu.memref_slice %arg4[%select_n3A, %mul3A_32] : memref<4x20480xf32, #tpu.memory_space<hbm>> -> memref<1x2560xf32, #tpu.memory_space<hbm>>
      %dma_wait3A_52 = tpu.memref_squeeze %dma_wait3A_51 : memref<1x2560xf32, #tpu.memory_space<hbm>> -> memref<2560xf32, #tpu.memory_space<hbm>>
      tpu.wait_dma2 semaphore(%run_scoped3A : memref<!tpu.dma_semaphore, #tpu.memory_space<semaphore_mem>>) src(%dma_wait3A_52 : memref<2560xf32, #tpu.memory_space<hbm>>) dst(%arg15 : memref<2560xf32, #tpu.memory_space<vmem>>)
      tpu.yield
    }) : () -> ()
    "tpu.region"() ({
      %run_scoped3A = tpu.sem_alloc : memref<!tpu.dma_semaphore, #tpu.memory_space<semaphore_mem>>
      %dma_start3A = tpu.memref_slice %arg5[%select_n3A, %mul3A_32] : memref<4x20480xf32, #tpu.memory_space<hbm>> -> memref<1x2560xf32, #tpu.memory_space<hbm>>
      %dma_start3A_47 = tpu.memref_squeeze %dma_start3A : memref<1x2560xf32, #tpu.memory_space<hbm>> -> memref<2560xf32, #tpu.memory_space<hbm>>
      %dma_start3A_48 = tpu.memref_slice %arg5[%select_n3A, %mul3A_32] : memref<4x20480xf32, #tpu.memory_space<hbm>> -> memref<1x2560xf32, #tpu.memory_space<hbm>>
      %dma_start3A_49 = tpu.memref_squeeze %dma_start3A_48 : memref<1x2560xf32, #tpu.memory_space<hbm>> -> memref<2560xf32, #tpu.memory_space<hbm>>
      tpu.enqueue_dma source(%dma_start3A_49 : memref<2560xf32, #tpu.memory_space<hbm>>) target(%arg16 : memref<2560xf32, #tpu.memory_space<vmem>>) target_semaphore(%run_scoped3A : memref<!tpu.dma_semaphore, #tpu.memory_space<semaphore_mem>>)
      %dma_wait3A = tpu.memref_slice %arg5[%select_n3A, %mul3A_32] : memref<4x20480xf32, #tpu.memory_space<hbm>> -> memref<1x2560xf32, #tpu.memory_space<hbm>>
      %dma_wait3A_50 = tpu.memref_squeeze %dma_wait3A : memref<1x2560xf32, #tpu.memory_space<hbm>> -> memref<2560xf32, #tpu.memory_space<hbm>>
      %dma_wait3A_51 = tpu.memref_slice %arg5[%select_n3A, %mul3A_32] : memref<4x20480xf32, #tpu.memory_space<hbm>> -> memref<1x2560xf32, #tpu.memory_space<hbm>>
      %dma_wait3A_52 = tpu.memref_squeeze %dma_wait3A_51 : memref<1x2560xf32, #tpu.memory_space<hbm>> -> memref<2560xf32, #tpu.memory_space<hbm>>
      tpu.wait_dma2 semaphore(%run_scoped3A : memref<!tpu.dma_semaphore, #tpu.memory_space<semaphore_mem>>) src(%dma_wait3A_52 : memref<2560xf32, #tpu.memory_space<hbm>>) dst(%arg16 : memref<2560xf32, #tpu.memory_space<vmem>>)
      tpu.yield
    }) : () -> ()
    "tpu.region"() ({
      %run_scoped3A = tpu.sem_alloc : memref<!tpu.dma_semaphore, #tpu.memory_space<semaphore_mem>>
      %dma_start3A = tpu.memref_slice %arg6[%select_n3A, %mul3A_32] : memref<4x20480xf32, #tpu.memory_space<hbm>> -> memref<1x2560xf32, #tpu.memory_space<hbm>>
      %dma_start3A_47 = tpu.memref_squeeze %dma_start3A : memref<1x2560xf32, #tpu.memory_space<hbm>> -> memref<2560xf32, #tpu.memory_space<hbm>>
      %dma_start3A_48 = tpu.memref_slice %arg6[%select_n3A, %mul3A_32] : memref<4x20480xf32, #tpu.memory_space<hbm>> -> memref<1x2560xf32, #tpu.memory_space<hbm>>
      %dma_start3A_49 = tpu.memref_squeeze %dma_start3A_48 : memref<1x2560xf32, #tpu.memory_space<hbm>> -> memref<2560xf32, #tpu.memory_space<hbm>>
      tpu.enqueue_dma source(%dma_start3A_49 : memref<2560xf32, #tpu.memory_space<hbm>>) target(%arg17 : memref<2560xf32, #tpu.memory_space<vmem>>) target_semaphore(%run_scoped3A : memref<!tpu.dma_semaphore, #tpu.memory_space<semaphore_mem>>)
      %dma_wait3A = tpu.memref_slice %arg6[%select_n3A, %mul3A_32] : memref<4x20480xf32, #tpu.memory_space<hbm>> -> memref<1x2560xf32, #tpu.memory_space<hbm>>
      %dma_wait3A_50 = tpu.memref_squeeze %dma_wait3A : memref<1x2560xf32, #tpu.memory_space<hbm>> -> memref<2560xf32, #tpu.memory_space<hbm>>
      %dma_wait3A_51 = tpu.memref_slice %arg6[%select_n3A, %mul3A_32] : memref<4x20480xf32, #tpu.memory_space<hbm>> -> memref<1x2560xf32, #tpu.memory_space<hbm>>
      %dma_wait3A_52 = tpu.memref_squeeze %dma_wait3A_51 : memref<1x2560xf32, #tpu.memory_space<hbm>> -> memref<2560xf32, #tpu.memory_space<hbm>>
      tpu.wait_dma2 semaphore(%run_scoped3A : memref<!tpu.dma_semaphore, #tpu.memory_space<semaphore_mem>>) src(%dma_wait3A_52 : memref<2560xf32, #tpu.memory_space<hbm>>) dst(%arg17 : memref<2560xf32, #tpu.memory_space<vmem>>)
      tpu.yield
    }) : () -> ()
    "tpu.region"() ({
      %run_scoped3A = tpu.sem_alloc : memref<!tpu.dma_semaphore, #tpu.memory_space<semaphore_mem>>
      %dma_start3A = tpu.memref_slice %arg7[%select_n3A, %mul3A_32] : memref<4x20480xf32, #tpu.memory_space<hbm>> -> memref<1x2560xf32, #tpu.memory_space<hbm>>
      %dma_start3A_47 = tpu.memref_squeeze %dma_start3A : memref<1x2560xf32, #tpu.memory_space<hbm>> -> memref<2560xf32, #tpu.memory_space<hbm>>
      %dma_start3A_48 = tpu.memref_slice %arg7[%select_n3A, %mul3A_32] : memref<4x20480xf32, #tpu.memory_space<hbm>> -> memref<1x2560xf32, #tpu.memory_space<hbm>>
      %dma_start3A_49 = tpu.memref_squeeze %dma_start3A_48 : memref<1x2560xf32, #tpu.memory_space<hbm>> -> memref<2560xf32, #tpu.memory_space<hbm>>
      tpu.enqueue_dma source(%dma_start3A_49 : memref<2560xf32, #tpu.memory_space<hbm>>) target(%arg18 : memref<2560xf32, #tpu.memory_space<vmem>>) target_semaphore(%run_scoped3A : memref<!tpu.dma_semaphore, #tpu.memory_space<semaphore_mem>>)
      %dma_wait3A = tpu.memref_slice %arg7[%select_n3A, %mul3A_32] : memref<4x20480xf32, #tpu.memory_space<hbm>> -> memref<1x2560xf32, #tpu.memory_space<hbm>>
      %dma_wait3A_50 = tpu.memref_squeeze %dma_wait3A : memref<1x2560xf32, #tpu.memory_space<hbm>> -> memref<2560xf32, #tpu.memory_space<hbm>>
      %dma_wait3A_51 = tpu.memref_slice %arg7[%select_n3A, %mul3A_32] : memref<4x20480xf32, #tpu.memory_space<hbm>> -> memref<1x2560xf32, #tpu.memory_space<hbm>>
      %dma_wait3A_52 = tpu.memref_squeeze %dma_wait3A_51 : memref<1x2560xf32, #tpu.memory_space<hbm>> -> memref<2560xf32, #tpu.memory_space<hbm>>
      tpu.wait_dma2 semaphore(%run_scoped3A : memref<!tpu.dma_semaphore, #tpu.memory_space<semaphore_mem>>) src(%dma_wait3A_52 : memref<2560xf32, #tpu.memory_space<hbm>>) dst(%arg18 : memref<2560xf32, #tpu.memory_space<vmem>>)
      tpu.yield
    }) : () -> ()
    %broadcast_in_dim3A = arith.constant 0.000000e+00 : f32
    %broadcast_in_dim3A_33 = vector.broadcast %broadcast_in_dim3A : f32 to vector<16xf32>
    %scan3A = arith.constant 0 : i32
    %scan3A_34 = arith.constant 0 : i32
    %scan3A_35 = arith.constant 384 : i32
    %scan3A_36 = arith.addi %scan3A_34, %scan3A_35 : i32
    %scan3A_37 = arith.constant 1 : i32
    %scan3A_38 = scf.for %scan3A_47 = %scan3A_34 to %scan3A_36 step %scan3A_37 iter_args(%scan3A_48 = %scan3A) -> (i32)  : i32 {
      %mul3A_49 = arith.constant 16 : i32
      %mul3A_50 = arith.muli %scan3A_47, %mul3A_49 : i32
      %swap3A = arith.index_cast %mul3A_50 : i32 to index
      %swap3A_51 = tpu.vector_load %arg19[%swap3A] {strides = array<i32>} : memref<6144xf32, #tpu.memory_space<vmem>>, vector<16xf32>,
      tpu.vector_store %arg19[%swap3A], %broadcast_in_dim3A_33 {strides = array<i32>} : memref<6144xf32, #tpu.memory_space<vmem>>, vector<16xf32>,
      %swap3A_52 = arith.index_cast %mul3A_50 : i32 to index
      %swap3A_53 = tpu.vector_load %arg20[%swap3A_52] {strides = array<i32>} : memref<6144xf32, #tpu.memory_space<vmem>>, vector<16xf32>,
      tpu.vector_store %arg20[%swap3A_52], %broadcast_in_dim3A_33 {strides = array<i32>} : memref<6144xf32, #tpu.memory_space<vmem>>, vector<16xf32>,
      %swap3A_54 = arith.index_cast %mul3A_50 : i32 to index
      %swap3A_55 = tpu.vector_load %arg21[%swap3A_54] {strides = array<i32>} : memref<6144xf32, #tpu.memory_space<vmem>>, vector<16xf32>,
      tpu.vector_store %arg21[%swap3A_54], %broadcast_in_dim3A_33 {strides = array<i32>} : memref<6144xf32, #tpu.memory_space<vmem>>, vector<16xf32>,
      %swap3A_56 = arith.index_cast %mul3A_50 : i32 to index
      %swap3A_57 = tpu.vector_load %arg22[%swap3A_56] {strides = array<i32>} : memref<6144xf32, #tpu.memory_space<vmem>>, vector<16xf32>,
      tpu.vector_store %arg22[%swap3A_56], %broadcast_in_dim3A_33 {strides = array<i32>} : memref<6144xf32, #tpu.memory_space<vmem>>, vector<16xf32>,
      %swap3A_58 = arith.index_cast %mul3A_50 : i32 to index
      %swap3A_59 = tpu.vector_load %arg23[%swap3A_58] {strides = array<i32>} : memref<6144xf32, #tpu.memory_space<vmem>>, vector<16xf32>,
      tpu.vector_store %arg23[%swap3A_58], %broadcast_in_dim3A_33 {strides = array<i32>} : memref<6144xf32, #tpu.memory_space<vmem>>, vector<16xf32>,
      %scan3A_60 = arith.constant 0 : i32
      scf.yield %scan3A_60 : i32
    }
    %scan3A_39 = arith.constant 384 : i32
    %scan3A_40 = arith.constant 0 : i32
    %scan3A_41 = arith.constant 0 : i32
    %scan3A_42 = arith.constant 160 : i32
    %scan3A_43 = arith.addi %scan3A_41, %scan3A_42 : i32
    %scan3A_44 = arith.constant 1 : i32
    %scan3A_45 = scf.for %scan3A_47 = %scan3A_41 to %scan3A_43 step %scan3A_44 iter_args(%scan3A_48 = %scan3A_40) -> (i32)  : i32 {
      %mul3A_49 = arith.constant 16 : i32
      %mul3A_50 = arith.muli %scan3A_47, %mul3A_49 : i32
      %get3A = arith.index_cast %mul3A_50 : i32 to index
      %get3A_51 = tpu.vector_load %arg13[%get3A] {strides = array<i32>} : memref<2560xi32, #tpu.memory_space<vmem>>, vector<16xi32>,
      %ge3A = arith.constant 0 : i32
      %ge3A_52 = vector.broadcast %ge3A : i32 to vector<16xi32>
      %ge3A_53 = arith.cmpi sge, %get3A_51, %ge3A_52 : vector<16xi32>
      %get3A_54 = arith.index_cast %mul3A_50 : i32 to index
      %get3A_55 = tpu.vector_load %arg14[%get3A_54] {strides = array<i32>} : memref<2560xf32, #tpu.memory_space<vmem>>, vector<16xf32>,
      tpu.vector_store_idx %arg19[%get3A_51], %get3A_55 masked %ge3A_53 : memref<6144xf32, #tpu.memory_space<vmem>>[vector<16xi32>], vector<16xf32>, vector<16xi1>
      %get3A_56 = arith.index_cast %mul3A_50 : i32 to index
      %get3A_57 = tpu.vector_load %arg15[%get3A_56] {strides = array<i32>} : memref<2560xf32, #tpu.memory_space<vmem>>, vector<16xf32>,
      tpu.vector_store_idx %arg20[%get3A_51], %get3A_57 masked %ge3A_53 : memref<6144xf32, #tpu.memory_space<vmem>>[vector<16xi32>], vector<16xf32>, vector<16xi1>
      %get3A_58 = arith.index_cast %mul3A_50 : i32 to index
      %get3A_59 = tpu.vector_load %arg16[%get3A_58] {strides = array<i32>} : memref<2560xf32, #tpu.memory_space<vmem>>, vector<16xf32>,
      tpu.vector_store_idx %arg21[%get3A_51], %get3A_59 masked %ge3A_53 : memref<6144xf32, #tpu.memory_space<vmem>>[vector<16xi32>], vector<16xf32>, vector<16xi1>
      %get3A_60 = arith.index_cast %mul3A_50 : i32 to index
      %get3A_61 = tpu.vector_load %arg17[%get3A_60] {strides = array<i32>} : memref<2560xf32, #tpu.memory_space<vmem>>, vector<16xf32>,
      tpu.vector_store_idx %arg22[%get3A_51], %get3A_61 masked %ge3A_53 : memref<6144xf32, #tpu.memory_space<vmem>>[vector<16xi32>], vector<16xf32>, vector<16xi1>
      %get3A_62 = arith.index_cast %mul3A_50 : i32 to index
      %get3A_63 = tpu.vector_load %arg18[%get3A_62] {strides = array<i32>} : memref<2560xf32, #tpu.memory_space<vmem>>, vector<16xf32>,
      tpu.vector_store_idx %arg23[%get3A_51], %get3A_63 masked %ge3A_53 : memref<6144xf32, #tpu.memory_space<vmem>>[vector<16xi32>], vector<16xf32>, vector<16xi1>
      %scan3A_64 = arith.constant 0 : i32
      scf.yield %scan3A_64 : i32
    }
    %scan3A_46 = arith.constant 160 : i32
    "tpu.region"() ({
      %run_scoped3A = tpu.sem_alloc : memref<!tpu.dma_semaphore, #tpu.memory_space<semaphore_mem>>
      %dma_start3A = arith.constant 0 : i32
      %dma_start3A_47 = tpu.memref_slice %arg8[%select_n3A, %select_n3A_30, %dma_start3A] : memref<4x8x6144xf32, #tpu.memory_space<hbm>> -> memref<1x1x6144xf32, #tpu.memory_space<hbm>>
      %dma_start3A_48 = tpu.memref_squeeze %dma_start3A_47 : memref<1x1x6144xf32, #tpu.memory_space<hbm>> -> memref<6144xf32, #tpu.memory_space<hbm>>
      %dma_start3A_49 = arith.constant 0 : i32
      %dma_start3A_50 = tpu.memref_slice %arg8[%select_n3A, %select_n3A_30, %dma_start3A_49] : memref<4x8x6144xf32, #tpu.memory_space<hbm>> -> memref<1x1x6144xf32, #tpu.memory_space<hbm>>
      %dma_start3A_51 = tpu.memref_squeeze %dma_start3A_50 : memref<1x1x6144xf32, #tpu.memory_space<hbm>> -> memref<6144xf32, #tpu.memory_space<hbm>>
      tpu.enqueue_dma source(%arg19 : memref<6144xf32, #tpu.memory_space<vmem>>) target(%dma_start3A_51 : memref<6144xf32, #tpu.memory_space<hbm>>) target_semaphore(%run_scoped3A : memref<!tpu.dma_semaphore, #tpu.memory_space<semaphore_mem>>)
      %dma_wait3A = arith.constant 0 : i32
      %dma_wait3A_52 = tpu.memref_slice %arg8[%select_n3A, %select_n3A_30, %dma_wait3A] : memref<4x8x6144xf32, #tpu.memory_space<hbm>> -> memref<1x1x6144xf32, #tpu.memory_space<hbm>>
      %dma_wait3A_53 = tpu.memref_squeeze %dma_wait3A_52 : memref<1x1x6144xf32, #tpu.memory_space<hbm>> -> memref<6144xf32, #tpu.memory_space<hbm>>
      %dma_wait3A_54 = arith.constant 0 : i32
      %dma_wait3A_55 = tpu.memref_slice %arg8[%select_n3A, %select_n3A_30, %dma_wait3A_54] : memref<4x8x6144xf32, #tpu.memory_space<hbm>> -> memref<1x1x6144xf32, #tpu.memory_space<hbm>>
      %dma_wait3A_56 = tpu.memref_squeeze %dma_wait3A_55 : memref<1x1x6144xf32, #tpu.memory_space<hbm>> -> memref<6144xf32, #tpu.memory_space<hbm>>
      tpu.wait_dma2 semaphore(%run_scoped3A : memref<!tpu.dma_semaphore, #tpu.memory_space<semaphore_mem>>) src(%arg19 : memref<6144xf32, #tpu.memory_space<vmem>>) dst(%dma_wait3A_56 : memref<6144xf32, #tpu.memory_space<hbm>>)
      tpu.yield
    }) : () -> ()
    "tpu.region"() ({
      %run_scoped3A = tpu.sem_alloc : memref<!tpu.dma_semaphore, #tpu.memory_space<semaphore_mem>>
      %dma_start3A = arith.constant 0 : i32
      %dma_start3A_47 = tpu.memref_slice %arg9[%select_n3A, %select_n3A_30, %dma_start3A] : memref<4x8x6144xf32, #tpu.memory_space<hbm>> -> memref<1x1x6144xf32, #tpu.memory_space<hbm>>
      %dma_start3A_48 = tpu.memref_squeeze %dma_start3A_47 : memref<1x1x6144xf32, #tpu.memory_space<hbm>> -> memref<6144xf32, #tpu.memory_space<hbm>>
      %dma_start3A_49 = arith.constant 0 : i32
      %dma_start3A_50 = tpu.memref_slice %arg9[%select_n3A, %select_n3A_30, %dma_start3A_49] : memref<4x8x6144xf32, #tpu.memory_space<hbm>> -> memref<1x1x6144xf32, #tpu.memory_space<hbm>>
      %dma_start3A_51 = tpu.memref_squeeze %dma_start3A_50 : memref<1x1x6144xf32, #tpu.memory_space<hbm>> -> memref<6144xf32, #tpu.memory_space<hbm>>
      tpu.enqueue_dma source(%arg20 : memref<6144xf32, #tpu.memory_space<vmem>>) target(%dma_start3A_51 : memref<6144xf32, #tpu.memory_space<hbm>>) target_semaphore(%run_scoped3A : memref<!tpu.dma_semaphore, #tpu.memory_space<semaphore_mem>>)
      %dma_wait3A = arith.constant 0 : i32
      %dma_wait3A_52 = tpu.memref_slice %arg9[%select_n3A, %select_n3A_30, %dma_wait3A] : memref<4x8x6144xf32, #tpu.memory_space<hbm>> -> memref<1x1x6144xf32, #tpu.memory_space<hbm>>
      %dma_wait3A_53 = tpu.memref_squeeze %dma_wait3A_52 : memref<1x1x6144xf32, #tpu.memory_space<hbm>> -> memref<6144xf32, #tpu.memory_space<hbm>>
      %dma_wait3A_54 = arith.constant 0 : i32
      %dma_wait3A_55 = tpu.memref_slice %arg9[%select_n3A, %select_n3A_30, %dma_wait3A_54] : memref<4x8x6144xf32, #tpu.memory_space<hbm>> -> memref<1x1x6144xf32, #tpu.memory_space<hbm>>
      %dma_wait3A_56 = tpu.memref_squeeze %dma_wait3A_55 : memref<1x1x6144xf32, #tpu.memory_space<hbm>> -> memref<6144xf32, #tpu.memory_space<hbm>>
      tpu.wait_dma2 semaphore(%run_scoped3A : memref<!tpu.dma_semaphore, #tpu.memory_space<semaphore_mem>>) src(%arg20 : memref<6144xf32, #tpu.memory_space<vmem>>) dst(%dma_wait3A_56 : memref<6144xf32, #tpu.memory_space<hbm>>)
      tpu.yield
    }) : () -> ()
    "tpu.region"() ({
      %run_scoped3A = tpu.sem_alloc : memref<!tpu.dma_semaphore, #tpu.memory_space<semaphore_mem>>
      %dma_start3A = arith.constant 0 : i32
      %dma_start3A_47 = tpu.memref_slice %arg10[%select_n3A, %select_n3A_30, %dma_start3A] : memref<4x8x6144xf32, #tpu.memory_space<hbm>> -> memref<1x1x6144xf32, #tpu.memory_space<hbm>>
      %dma_start3A_48 = tpu.memref_squeeze %dma_start3A_47 : memref<1x1x6144xf32, #tpu.memory_space<hbm>> -> memref<6144xf32, #tpu.memory_space<hbm>>
      %dma_start3A_49 = arith.constant 0 : i32
      %dma_start3A_50 = tpu.memref_slice %arg10[%select_n3A, %select_n3A_30, %dma_start3A_49] : memref<4x8x6144xf32, #tpu.memory_space<hbm>> -> memref<1x1x6144xf32, #tpu.memory_space<hbm>>
      %dma_start3A_51 = tpu.memref_squeeze %dma_start3A_50 : memref<1x1x6144xf32, #tpu.memory_space<hbm>> -> memref<6144xf32, #tpu.memory_space<hbm>>
      tpu.enqueue_dma source(%arg21 : memref<6144xf32, #tpu.memory_space<vmem>>) target(%dma_start3A_51 : memref<6144xf32, #tpu.memory_space<hbm>>) target_semaphore(%run_scoped3A : memref<!tpu.dma_semaphore, #tpu.memory_space<semaphore_mem>>)
      %dma_wait3A = arith.constant 0 : i32
      %dma_wait3A_52 = tpu.memref_slice %arg10[%select_n3A, %select_n3A_30, %dma_wait3A] : memref<4x8x6144xf32, #tpu.memory_space<hbm>> -> memref<1x1x6144xf32, #tpu.memory_space<hbm>>
      %dma_wait3A_53 = tpu.memref_squeeze %dma_wait3A_52 : memref<1x1x6144xf32, #tpu.memory_space<hbm>> -> memref<6144xf32, #tpu.memory_space<hbm>>
      %dma_wait3A_54 = arith.constant 0 : i32
      %dma_wait3A_55 = tpu.memref_slice %arg10[%select_n3A, %select_n3A_30, %dma_wait3A_54] : memref<4x8x6144xf32, #tpu.memory_space<hbm>> -> memref<1x1x6144xf32, #tpu.memory_space<hbm>>
      %dma_wait3A_56 = tpu.memref_squeeze %dma_wait3A_55 : memref<1x1x6144xf32, #tpu.memory_space<hbm>> -> memref<6144xf32, #tpu.memory_space<hbm>>
      tpu.wait_dma2 semaphore(%run_scoped3A : memref<!tpu.dma_semaphore, #tpu.memory_space<semaphore_mem>>) src(%arg21 : memref<6144xf32, #tpu.memory_space<vmem>>) dst(%dma_wait3A_56 : memref<6144xf32, #tpu.memory_space<hbm>>)
      tpu.yield
    }) : () -> ()
    "tpu.region"() ({
      %run_scoped3A = tpu.sem_alloc : memref<!tpu.dma_semaphore, #tpu.memory_space<semaphore_mem>>
      %dma_start3A = arith.constant 0 : i32
      %dma_start3A_47 = tpu.memref_slice %arg11[%select_n3A, %select_n3A_30, %dma_start3A] : memref<4x8x6144xf32, #tpu.memory_space<hbm>> -> memref<1x1x6144xf32, #tpu.memory_space<hbm>>
      %dma_start3A_48 = tpu.memref_squeeze %dma_start3A_47 : memref<1x1x6144xf32, #tpu.memory_space<hbm>> -> memref<6144xf32, #tpu.memory_space<hbm>>
      %dma_start3A_49 = arith.constant 0 : i32
      %dma_start3A_50 = tpu.memref_slice %arg11[%select_n3A, %select_n3A_30, %dma_start3A_49] : memref<4x8x6144xf32, #tpu.memory_space<hbm>> -> memref<1x1x6144xf32, #tpu.memory_space<hbm>>
      %dma_start3A_51 = tpu.memref_squeeze %dma_start3A_50 : memref<1x1x6144xf32, #tpu.memory_space<hbm>> -> memref<6144xf32, #tpu.memory_space<hbm>>
      tpu.enqueue_dma source(%arg22 : memref<6144xf32, #tpu.memory_space<vmem>>) target(%dma_start3A_51 : memref<6144xf32, #tpu.memory_space<hbm>>) target_semaphore(%run_scoped3A : memref<!tpu.dma_semaphore, #tpu.memory_space<semaphore_mem>>)
      %dma_wait3A = arith.constant 0 : i32
      %dma_wait3A_52 = tpu.memref_slice %arg11[%select_n3A, %select_n3A_30, %dma_wait3A] : memref<4x8x6144xf32, #tpu.memory_space<hbm>> -> memref<1x1x6144xf32, #tpu.memory_space<hbm>>
      %dma_wait3A_53 = tpu.memref_squeeze %dma_wait3A_52 : memref<1x1x6144xf32, #tpu.memory_space<hbm>> -> memref<6144xf32, #tpu.memory_space<hbm>>
      %dma_wait3A_54 = arith.constant 0 : i32
      %dma_wait3A_55 = tpu.memref_slice %arg11[%select_n3A, %select_n3A_30, %dma_wait3A_54] : memref<4x8x6144xf32, #tpu.memory_space<hbm>> -> memref<1x1x6144xf32, #tpu.memory_space<hbm>>
      %dma_wait3A_56 = tpu.memref_squeeze %dma_wait3A_55 : memref<1x1x6144xf32, #tpu.memory_space<hbm>> -> memref<6144xf32, #tpu.memory_space<hbm>>
      tpu.wait_dma2 semaphore(%run_scoped3A : memref<!tpu.dma_semaphore, #tpu.memory_space<semaphore_mem>>) src(%arg22 : memref<6144xf32, #tpu.memory_space<vmem>>) dst(%dma_wait3A_56 : memref<6144xf32, #tpu.memory_space<hbm>>)
      tpu.yield
    }) : () -> ()
    "tpu.region"() ({
      %run_scoped3A = tpu.sem_alloc : memref<!tpu.dma_semaphore, #tpu.memory_space<semaphore_mem>>
      %dma_start3A = arith.constant 0 : i32
      %dma_start3A_47 = tpu.memref_slice %arg12[%select_n3A, %select_n3A_30, %dma_start3A] : memref<4x8x6144xf32, #tpu.memory_space<hbm>> -> memref<1x1x6144xf32, #tpu.memory_space<hbm>>
      %dma_start3A_48 = tpu.memref_squeeze %dma_start3A_47 : memref<1x1x6144xf32, #tpu.memory_space<hbm>> -> memref<6144xf32, #tpu.memory_space<hbm>>
      %dma_start3A_49 = arith.constant 0 : i32
      %dma_start3A_50 = tpu.memref_slice %arg12[%select_n3A, %select_n3A_30, %dma_start3A_49] : memref<4x8x6144xf32, #tpu.memory_space<hbm>> -> memref<1x1x6144xf32, #tpu.memory_space<hbm>>
      %dma_start3A_51 = tpu.memref_squeeze %dma_start3A_50 : memref<1x1x6144xf32, #tpu.memory_space<hbm>> -> memref<6144xf32, #tpu.memory_space<hbm>>
      tpu.enqueue_dma source(%arg23 : memref<6144xf32, #tpu.memory_space<vmem>>) target(%dma_start3A_51 : memref<6144xf32, #tpu.memory_space<hbm>>) target_semaphore(%run_scoped3A : memref<!tpu.dma_semaphore, #tpu.memory_space<semaphore_mem>>)
      %dma_wait3A = arith.constant 0 : i32
      %dma_wait3A_52 = tpu.memref_slice %arg12[%select_n3A, %select_n3A_30, %dma_wait3A] : memref<4x8x6144xf32, #tpu.memory_space<hbm>> -> memref<1x1x6144xf32, #tpu.memory_space<hbm>>
      %dma_wait3A_53 = tpu.memref_squeeze %dma_wait3A_52 : memref<1x1x6144xf32, #tpu.memory_space<hbm>> -> memref<6144xf32, #tpu.memory_space<hbm>>
      %dma_wait3A_54 = arith.constant 0 : i32
      %dma_wait3A_55 = tpu.memref_slice %arg12[%select_n3A, %select_n3A_30, %dma_wait3A_54] : memref<4x8x6144xf32, #tpu.memory_space<hbm>> -> memref<1x1x6144xf32, #tpu.memory_space<hbm>>
      %dma_wait3A_56 = tpu.memref_squeeze %dma_wait3A_55 : memref<1x1x6144xf32, #tpu.memory_space<hbm>> -> memref<6144xf32, #tpu.memory_space<hbm>>
      tpu.wait_dma2 semaphore(%run_scoped3A : memref<!tpu.dma_semaphore, #tpu.memory_space<semaphore_mem>>) src(%arg23 : memref<6144xf32, #tpu.memory_space<vmem>>) dst(%dma_wait3A_56 : memref<6144xf32, #tpu.memory_space<hbm>>)
      tpu.yield
    }) : () -> ()
    return
  }
}

module attributes {stable_mosaic.version = 14 : i64} {
  func.func @_prep_kernel(%arg0: memref<4x160x128xf32, #tpu.memory_space<vmem>>, %arg1: memref<4x160x128xf32, #tpu.memory_space<vmem>>, %arg2: memref<4x160x128xf32, #tpu.memory_space<vmem>>, %arg3: memref<4x160x128xf32, #tpu.memory_space<vmem>>, %arg4: memref<4x160x128xf32, #tpu.memory_space<vmem>>, %arg5: memref<4x160x128xf32, #tpu.memory_space<vmem>>, %arg6: memref<4x160x128xf32, #tpu.memory_space<vmem>>, %arg7: memref<4x160x128xf32, #tpu.memory_space<vmem>>, %arg8: memref<4x160x128xf32, #tpu.memory_space<vmem>>, %arg9: memref<4x160x128xf32, #tpu.memory_space<vmem>>, %arg10: memref<4x160x128xf32, #tpu.memory_space<vmem>>, %arg11: memref<4x160x128xf32, #tpu.memory_space<vmem>>, %arg12: memref<4x160x128xf32, #tpu.memory_space<vmem>>, %arg13: memref<4x160x128xf32, #tpu.memory_space<vmem>>, %arg14: memref<4x160x128xi32, #tpu.memory_space<vmem>>) attributes {dimension_semantics = [], scalar_prefetch = 0 : i64, scratch_operands = 0 : i64, tpu.core_type = #tpu.core_type<tc>} {
    %get3A = arith.constant 0 : index
    %get3A_0 = arith.constant 0 : index
    %get3A_1 = arith.constant 0 : index
    %get3A_2 = vector.load %arg0[%get3A, %get3A_0, %get3A_1] : memref<4x160x128xf32, #tpu.memory_space<vmem>>, vector<4x160x128xf32>
    %get3A_3 = arith.constant 0 : index
    %get3A_4 = arith.constant 0 : index
    %get3A_5 = arith.constant 0 : index
    %get3A_6 = vector.load %arg5[%get3A_3, %get3A_4, %get3A_5] : memref<4x160x128xf32, #tpu.memory_space<vmem>>, vector<4x160x128xf32>
    %get3A_7 = arith.constant 0 : index
    %get3A_8 = arith.constant 0 : index
    %get3A_9 = arith.constant 0 : index
    %get3A_10 = vector.load %arg6[%get3A_7, %get3A_8, %get3A_9] : memref<4x160x128xf32, #tpu.memory_space<vmem>>, vector<4x160x128xf32>
    %get3A_11 = arith.constant 0 : index
    %get3A_12 = arith.constant 0 : index
    %get3A_13 = arith.constant 0 : index
    %get3A_14 = vector.load %arg7[%get3A_11, %get3A_12, %get3A_13] : memref<4x160x128xf32, #tpu.memory_space<vmem>>, vector<4x160x128xf32>
    %get3A_15 = arith.constant 0 : index
    %get3A_16 = arith.constant 0 : index
    %get3A_17 = arith.constant 0 : index
    %get3A_18 = vector.load %arg8[%get3A_15, %get3A_16, %get3A_17] : memref<4x160x128xf32, #tpu.memory_space<vmem>>, vector<4x160x128xf32>
    %sub3A = arith.subf %get3A_14, %get3A_6 : vector<4x160x128xf32>
    %sub3A_19 = arith.subf %get3A_18, %get3A_10 : vector<4x160x128xf32>
    %mul3A = arith.constant 5.000000e-01 : f32
    %mul3A_20 = vector.broadcast %mul3A : f32 to vector<4x160x128xf32>
    %mul3A_21 = arith.mulf %mul3A_20, %sub3A : vector<4x160x128xf32>
    %add3A = arith.addf %get3A_6, %mul3A_21 : vector<4x160x128xf32>
    %mul3A_22 = arith.constant 5.000000e-01 : f32
    %mul3A_23 = vector.broadcast %mul3A_22 : f32 to vector<4x160x128xf32>
    %mul3A_24 = arith.mulf %mul3A_23, %sub3A_19 : vector<4x160x128xf32>
    %add3A_25 = arith.addf %get3A_10, %mul3A_24 : vector<4x160x128xf32>
    %get3A_26 = arith.constant 0 : index
    %get3A_27 = arith.constant 0 : index
    %get3A_28 = arith.constant 0 : index
    %get3A_29 = vector.load %arg1[%get3A_26, %get3A_27, %get3A_28] : memref<4x160x128xf32, #tpu.memory_space<vmem>>, vector<4x160x128xf32>
    %mul3A_30 = arith.constant 1.000000e-01 : f32
    %mul3A_31 = vector.broadcast %mul3A_30 : f32 to vector<4x160x128xf32>
    %mul3A_32 = arith.mulf %get3A_29, %mul3A_31 : vector<4x160x128xf32>
    %mul3A_33 = arith.mulf %mul3A_32, %sub3A : vector<4x160x128xf32>
    %add3A_34 = arith.addf %add3A, %mul3A_33 : vector<4x160x128xf32>
    %get3A_35 = arith.constant 0 : index
    %get3A_36 = arith.constant 0 : index
    %get3A_37 = arith.constant 0 : index
    %get3A_38 = vector.load %arg2[%get3A_35, %get3A_36, %get3A_37] : memref<4x160x128xf32, #tpu.memory_space<vmem>>, vector<4x160x128xf32>
    %mul3A_39 = arith.constant 1.000000e-01 : f32
    %mul3A_40 = vector.broadcast %mul3A_39 : f32 to vector<4x160x128xf32>
    %mul3A_41 = arith.mulf %get3A_38, %mul3A_40 : vector<4x160x128xf32>
    %mul3A_42 = arith.mulf %mul3A_41, %sub3A_19 : vector<4x160x128xf32>
    %add3A_43 = arith.addf %add3A_25, %mul3A_42 : vector<4x160x128xf32>
    %get3A_44 = arith.constant 0 : index
    %get3A_45 = arith.constant 0 : index
    %get3A_46 = arith.constant 0 : index
    %get3A_47 = vector.load %arg3[%get3A_44, %get3A_45, %get3A_46] : memref<4x160x128xf32, #tpu.memory_space<vmem>>, vector<4x160x128xf32>
    %mul3A_48 = arith.constant 2.000000e-01 : f32
    %mul3A_49 = vector.broadcast %mul3A_48 : f32 to vector<4x160x128xf32>
    %mul3A_50 = arith.mulf %get3A_47, %mul3A_49 : vector<4x160x128xf32>
    %exp3A = math.exp %mul3A_50 : vector<4x160x128xf32>
    %mul3A_51 = arith.mulf %sub3A, %exp3A : vector<4x160x128xf32>
    %get3A_52 = arith.constant 0 : index
    %get3A_53 = arith.constant 0 : index
    %get3A_54 = arith.constant 0 : index
    %get3A_55 = vector.load %arg4[%get3A_52, %get3A_53, %get3A_54] : memref<4x160x128xf32, #tpu.memory_space<vmem>>, vector<4x160x128xf32>
    %mul3A_56 = arith.constant 2.000000e-01 : f32
    %mul3A_57 = vector.broadcast %mul3A_56 : f32 to vector<4x160x128xf32>
    %mul3A_58 = arith.mulf %get3A_55, %mul3A_57 : vector<4x160x128xf32>
    %exp3A_59 = math.exp %mul3A_58 : vector<4x160x128xf32>
    %mul3A_60 = arith.mulf %sub3A_19, %exp3A_59 : vector<4x160x128xf32>
    %mul3A_61 = arith.constant 5.000000e-01 : f32
    %mul3A_62 = vector.broadcast %mul3A_61 : f32 to vector<4x160x128xf32>
    %mul3A_63 = arith.mulf %mul3A_62, %mul3A_51 : vector<4x160x128xf32>
    %sub3A_64 = arith.subf %add3A_34, %mul3A_63 : vector<4x160x128xf32>
    %mul3A_65 = arith.constant 5.000000e-01 : f32
    %mul3A_66 = vector.broadcast %mul3A_65 : f32 to vector<4x160x128xf32>
    %mul3A_67 = arith.mulf %mul3A_66, %mul3A_60 : vector<4x160x128xf32>
    %sub3A_68 = arith.subf %add3A_43, %mul3A_67 : vector<4x160x128xf32>
    %add3A_69 = arith.addf %sub3A_64, %mul3A_51 : vector<4x160x128xf32>
    %add3A_70 = arith.addf %sub3A_68, %mul3A_60 : vector<4x160x128xf32>
    %jit3A = arith.constant 0.000000e+00 : f32
    %jit3A_71 = arith.constant 1.000000e+00 : f32
    %max3A = vector.broadcast %jit3A : f32 to vector<4x160x128xf32>
    %max3A_72 = arith.maximumf %max3A, %sub3A_64 : vector<4x160x128xf32>
    %min3A = vector.broadcast %jit3A_71 : f32 to vector<4x160x128xf32>
    %min3A_73 = arith.minimumf %min3A, %max3A_72 : vector<4x160x128xf32>
    %swap3A = arith.constant 0 : index
    %swap3A_74 = arith.constant 0 : index
    %swap3A_75 = arith.constant 0 : index
    %swap3A_76 = vector.load %arg9[%swap3A, %swap3A_74, %swap3A_75] : memref<4x160x128xf32, #tpu.memory_space<vmem>>, vector<4x160x128xf32>
    tpu.vector_store %arg9[%swap3A, %swap3A_74, %swap3A_75], %min3A_73 {strides = array<i32>} : memref<4x160x128xf32, #tpu.memory_space<vmem>>, vector<4x160x128xf32>,
    %jit3A_77 = arith.constant 0.000000e+00 : f32
    %jit3A_78 = arith.constant 1.000000e+00 : f32
    %max3A_79 = vector.broadcast %jit3A_77 : f32 to vector<4x160x128xf32>
    %max3A_80 = arith.maximumf %max3A_79, %sub3A_68 : vector<4x160x128xf32>
    %min3A_81 = vector.broadcast %jit3A_78 : f32 to vector<4x160x128xf32>
    %min3A_82 = arith.minimumf %min3A_81, %max3A_80 : vector<4x160x128xf32>
    %swap3A_83 = arith.constant 0 : index
    %swap3A_84 = arith.constant 0 : index
    %swap3A_85 = arith.constant 0 : index
    %swap3A_86 = vector.load %arg10[%swap3A_83, %swap3A_84, %swap3A_85] : memref<4x160x128xf32, #tpu.memory_space<vmem>>, vector<4x160x128xf32>
    tpu.vector_store %arg10[%swap3A_83, %swap3A_84, %swap3A_85], %min3A_82 {strides = array<i32>} : memref<4x160x128xf32, #tpu.memory_space<vmem>>, vector<4x160x128xf32>,
    %jit3A_87 = arith.constant 0.000000e+00 : f32
    %jit3A_88 = arith.constant 1.000000e+00 : f32
    %max3A_89 = vector.broadcast %jit3A_87 : f32 to vector<4x160x128xf32>
    %max3A_90 = arith.maximumf %max3A_89, %add3A_69 : vector<4x160x128xf32>
    %min3A_91 = vector.broadcast %jit3A_88 : f32 to vector<4x160x128xf32>
    %min3A_92 = arith.minimumf %min3A_91, %max3A_90 : vector<4x160x128xf32>
    %swap3A_93 = arith.constant 0 : index
    %swap3A_94 = arith.constant 0 : index
    %swap3A_95 = arith.constant 0 : index
    %swap3A_96 = vector.load %arg11[%swap3A_93, %swap3A_94, %swap3A_95] : memref<4x160x128xf32, #tpu.memory_space<vmem>>, vector<4x160x128xf32>
    tpu.vector_store %arg11[%swap3A_93, %swap3A_94, %swap3A_95], %min3A_92 {strides = array<i32>} : memref<4x160x128xf32, #tpu.memory_space<vmem>>, vector<4x160x128xf32>,
    %jit3A_97 = arith.constant 0.000000e+00 : f32
    %jit3A_98 = arith.constant 1.000000e+00 : f32
    %max3A_99 = vector.broadcast %jit3A_97 : f32 to vector<4x160x128xf32>
    %max3A_100 = arith.maximumf %max3A_99, %add3A_70 : vector<4x160x128xf32>
    %min3A_101 = vector.broadcast %jit3A_98 : f32 to vector<4x160x128xf32>
    %min3A_102 = arith.minimumf %min3A_101, %max3A_100 : vector<4x160x128xf32>
    %swap3A_103 = arith.constant 0 : index
    %swap3A_104 = arith.constant 0 : index
    %swap3A_105 = arith.constant 0 : index
    %swap3A_106 = vector.load %arg12[%swap3A_103, %swap3A_104, %swap3A_105] : memref<4x160x128xf32, #tpu.memory_space<vmem>>, vector<4x160x128xf32>
    tpu.vector_store %arg12[%swap3A_103, %swap3A_104, %swap3A_105], %min3A_102 {strides = array<i32>} : memref<4x160x128xf32, #tpu.memory_space<vmem>>, vector<4x160x128xf32>,
    %swap3A_107 = arith.constant 0 : index
    %swap3A_108 = arith.constant 0 : index
    %swap3A_109 = arith.constant 0 : index
    %swap3A_110 = vector.load %arg13[%swap3A_107, %swap3A_108, %swap3A_109] : memref<4x160x128xf32, #tpu.memory_space<vmem>>, vector<4x160x128xf32>
    tpu.vector_store %arg13[%swap3A_107, %swap3A_108, %swap3A_109], %get3A_2 {strides = array<i32>} : memref<4x160x128xf32, #tpu.memory_space<vmem>>, vector<4x160x128xf32>,
    %broadcast_in_dim3A = arith.constant 0 : i32
    %broadcast_in_dim3A_111 = vector.broadcast %broadcast_in_dim3A : i32 to vector<4x1x1xi32>
    %scan3A = arith.constant 0 : i32
    %scan3A_112 = arith.constant 31 : i32
    %scan3A_113 = arith.addi %scan3A, %scan3A_112 : i32
    %scan3A_114 = arith.constant 1 : i32
    %scan3A_115 = scf.for %scan3A_181 = %scan3A to %scan3A_113 step %scan3A_114 iter_args(%scan3A_182 = %broadcast_in_dim3A_111) -> (vector<4x1x1xi32>)  : i32 {
      %sub3A_183 = arith.constant 30 : i32
      %sub3A_184 = arith.subi %sub3A_183, %scan3A_181 : i32
      %shift_left3A = arith.constant 1 : i32
      %shift_left3A_185 = arith.shli %shift_left3A, %sub3A_184 : i32
      %or3A_186 = vector.broadcast %shift_left3A_185 : i32 to vector<4x1x1xi32>
      %or3A_187 = arith.ori %scan3A_182, %or3A_186 : vector<4x1x1xi32>
      %bitcast_convert_type3A_188 = tpu.bitcast %or3A_187 : vector<4x1x1xi32> -> vector<4x1x1xf32>
      %ge3A = vector.broadcast %bitcast_convert_type3A_188 : vector<4x1x1xf32> to vector<4x160x128xf32>
      %ge3A_189 = arith.cmpf oge, %get3A_2, %ge3A : vector<4x160x128xf32>
      %jit3A_190 = arith.constant 1.000000e+00 : f32
      %jit3A_191 = arith.constant 0.000000e+00 : f32
      %broadcast_in_dim3A_192 = vector.broadcast %jit3A_190 : f32 to vector<4x160x128xf32>
      %broadcast_in_dim3A_193 = vector.broadcast %jit3A_191 : f32 to vector<4x160x128xf32>
      %select_n3A_194 = arith.select %ge3A_189, %broadcast_in_dim3A_192, %broadcast_in_dim3A_193 : vector<4x160x128xi1>, vector<4x160x128xf32>
      %reduce_sum3A_195 = arith.constant dense<0.000000e+00> : vector<4xf32>
      %reduce_sum3A_196 = vector.multi_reduction <add>, %select_n3A_194, %reduce_sum3A_195 [1, 2] : vector<4x160x128xf32> to vector<4xf32>
      %broadcast_in_dim3A_197 = vector.shape_cast %reduce_sum3A_196 : vector<4xf32> to vector<4x1x1xf32>
      %ge3A_198 = arith.constant 6.000000e+03 : f32
      %ge3A_199 = vector.broadcast %ge3A_198 : f32 to vector<4x1x1xf32>
      %ge3A_200 = arith.cmpf oge, %broadcast_in_dim3A_197, %ge3A_199 : vector<4x1x1xf32>
      %select_n3A_201 = arith.select %ge3A_200, %or3A_187, %scan3A_182 : vector<4x1x1xi1>, vector<4x1x1xi32>
      scf.yield %select_n3A_201 : vector<4x1x1xi32>
    }
    %scan3A_116 = arith.constant 31 : i32
    %bitcast_convert_type3A = tpu.bitcast %scan3A_115 : vector<4x1x1xi32> -> vector<4x1x1xf32>
    %gt3A = vector.broadcast %bitcast_convert_type3A : vector<4x1x1xf32> to vector<4x160x128xf32>
    %gt3A_117 = arith.cmpf ogt, %get3A_2, %gt3A : vector<4x160x128xf32>
    %eq3A = vector.broadcast %bitcast_convert_type3A : vector<4x1x1xf32> to vector<4x160x128xf32>
    %eq3A_118 = arith.cmpf oeq, %get3A_2, %eq3A : vector<4x160x128xf32>
    %jit3A_119 = arith.constant 1.000000e+00 : f32
    %jit3A_120 = arith.constant 0.000000e+00 : f32
    %broadcast_in_dim3A_121 = vector.broadcast %jit3A_119 : f32 to vector<4x160x128xf32>
    %broadcast_in_dim3A_122 = vector.broadcast %jit3A_120 : f32 to vector<4x160x128xf32>
    %select_n3A = arith.select %gt3A_117, %broadcast_in_dim3A_121, %broadcast_in_dim3A_122 : vector<4x160x128xi1>, vector<4x160x128xf32>
    %reduce_sum3A = arith.constant dense<0.000000e+00> : vector<4xf32>
    %reduce_sum3A_123 = vector.multi_reduction <add>, %select_n3A, %reduce_sum3A [1, 2] : vector<4x160x128xf32> to vector<4xf32>
    %broadcast_in_dim3A_124 = vector.shape_cast %reduce_sum3A_123 : vector<4xf32> to vector<4x1x1xf32>
    %sub3A_125 = arith.constant 6.000000e+03 : f32
    %sub3A_126 = vector.broadcast %sub3A_125 : f32 to vector<4x1x1xf32>
    %sub3A_127 = arith.subf %sub3A_126, %broadcast_in_dim3A_124 : vector<4x1x1xf32>
    %iota3A = tpu.iota {dimensions = array<i32: 0>} : vector<128x128xi32>
    %iota3A_128 = tpu.iota {dimensions = array<i32: 1>} : vector<128x128xi32>
    %le3A = arith.cmpi sle, %iota3A, %iota3A_128 : vector<128x128xi32>
    %jit3A_129 = arith.constant 1.000000e+00 : f32
    %jit3A_130 = arith.constant 0.000000e+00 : f32
    %broadcast_in_dim3A_131 = vector.broadcast %jit3A_129 : f32 to vector<128x128xf32>
    %broadcast_in_dim3A_132 = vector.broadcast %jit3A_130 : f32 to vector<128x128xf32>
    %select_n3A_133 = arith.select %le3A, %broadcast_in_dim3A_131, %broadcast_in_dim3A_132 : vector<128x128xi1>, vector<128x128xf32>
    %iota3A_134 = tpu.iota {dimensions = array<i32: 0>} : vector<160x160xi32>
    %iota3A_135 = tpu.iota {dimensions = array<i32: 1>} : vector<160x160xi32>
    %lt3A = arith.cmpi slt, %iota3A_134, %iota3A_135 : vector<160x160xi32>
    %jit3A_136 = arith.constant 1.000000e+00 : f32
    %jit3A_137 = arith.constant 0.000000e+00 : f32
    %broadcast_in_dim3A_138 = vector.broadcast %jit3A_136 : f32 to vector<160x160xf32>
    %broadcast_in_dim3A_139 = vector.broadcast %jit3A_137 : f32 to vector<160x160xf32>
    %select_n3A_140 = arith.select %lt3A, %broadcast_in_dim3A_138, %broadcast_in_dim3A_139 : vector<160x160xi1>, vector<160x160xf32>
    %jit3A_141 = arith.constant 1.000000e+00 : f32
    %jit3A_142 = arith.constant 0.000000e+00 : f32
    %broadcast_in_dim3A_143 = vector.broadcast %jit3A_141 : f32 to vector<4x160x128xf32>
    %broadcast_in_dim3A_144 = vector.broadcast %jit3A_142 : f32 to vector<4x160x128xf32>
    %select_n3A_145 = arith.select %eq3A_118, %broadcast_in_dim3A_143, %broadcast_in_dim3A_144 : vector<4x160x128xi1>, vector<4x160x128xf32>
    %reshape3A = vector.shape_cast %select_n3A_145 : vector<4x160x128xf32> to vector<640x128xf32>
    %dot_general3A = arith.constant dense<0.000000e+00> : vector<640x128xf32>
    %dot_general3A_146 = tpu.matmul %reshape3A, %select_n3A_133, %dot_general3A {dimension_numbers = #tpu.dot_dimension_numbers<[1], [0], [0], [1], [0, 0, 1, 1], [], []>, transpose_lhs_hint = false} : vector<640x128xf32>, vector<128x128xf32>, vector<640x128xf32> -> vector<640x128xf32>
    %reshape3A_147 = vector.shape_cast %dot_general3A_146 : vector<640x128xf32> to vector<4x160x128xf32>
    %slice3A = vector.extract_strided_slice %reshape3A_147 {offsets = [0, 0, 127], sizes = [4, 160, 1], strides = [1, 1, 1]} : vector<4x160x128xf32> to vector<4x160x1xf32>
    %squeeze3A = vector.shape_cast %slice3A : vector<4x160x1xf32> to vector<4x160xf32>
    %dot_general3A_148 = arith.constant dense<0.000000e+00> : vector<4x160xf32>
    %dot_general3A_149 = tpu.matmul %squeeze3A, %select_n3A_140, %dot_general3A_148 {dimension_numbers = #tpu.dot_dimension_numbers<[1], [0], [0], [1], [0, 0, 1, 1], [], []>, transpose_lhs_hint = false} : vector<4x160xf32>, vector<160x160xf32>, vector<4x160xf32> -> vector<4x160xf32>
    %broadcast_in_dim3A_150 = vector.shape_cast %dot_general3A_149 : vector<4x160xf32> to vector<4x160x1xf32>
    %add3A_151 = vector.broadcast %broadcast_in_dim3A_150 : vector<4x160x1xf32> to vector<4x160x128xf32>
    %add3A_152 = arith.addf %reshape3A_147, %add3A_151 : vector<4x160x128xf32>
    %le3A_153 = vector.broadcast %sub3A_127 : vector<4x1x1xf32> to vector<4x160x128xf32>
    %le3A_154 = arith.cmpf ole, %add3A_152, %le3A_153 : vector<4x160x128xf32>
    %and3A = arith.andi %eq3A_118, %le3A_154 : vector<4x160x128xi1>
    %or3A = arith.ori %gt3A_117, %and3A : vector<4x160x128xi1>
    %jit3A_155 = arith.constant 1.000000e+00 : f32
    %jit3A_156 = arith.constant 0.000000e+00 : f32
    %broadcast_in_dim3A_157 = vector.broadcast %jit3A_155 : f32 to vector<4x160x128xf32>
    %broadcast_in_dim3A_158 = vector.broadcast %jit3A_156 : f32 to vector<4x160x128xf32>
    %select_n3A_159 = arith.select %or3A, %broadcast_in_dim3A_157, %broadcast_in_dim3A_158 : vector<4x160x128xi1>, vector<4x160x128xf32>
    %reshape3A_160 = vector.shape_cast %select_n3A_159 : vector<4x160x128xf32> to vector<640x128xf32>
    %dot_general3A_161 = arith.constant dense<0.000000e+00> : vector<640x128xf32>
    %dot_general3A_162 = tpu.matmul %reshape3A_160, %select_n3A_133, %dot_general3A_161 {dimension_numbers = #tpu.dot_dimension_numbers<[1], [0], [0], [1], [0, 0, 1, 1], [], []>, transpose_lhs_hint = false} : vector<640x128xf32>, vector<128x128xf32>, vector<640x128xf32> -> vector<640x128xf32>
    %reshape3A_163 = vector.shape_cast %dot_general3A_162 : vector<640x128xf32> to vector<4x160x128xf32>
    %slice3A_164 = vector.extract_strided_slice %reshape3A_163 {offsets = [0, 0, 127], sizes = [4, 160, 1], strides = [1, 1, 1]} : vector<4x160x128xf32> to vector<4x160x1xf32>
    %squeeze3A_165 = vector.shape_cast %slice3A_164 : vector<4x160x1xf32> to vector<4x160xf32>
    %dot_general3A_166 = arith.constant dense<0.000000e+00> : vector<4x160xf32>
    %dot_general3A_167 = tpu.matmul %squeeze3A_165, %select_n3A_140, %dot_general3A_166 {dimension_numbers = #tpu.dot_dimension_numbers<[1], [0], [0], [1], [0, 0, 1, 1], [], []>, transpose_lhs_hint = false} : vector<4x160xf32>, vector<160x160xf32>, vector<4x160xf32> -> vector<4x160xf32>
    %broadcast_in_dim3A_168 = vector.shape_cast %dot_general3A_167 : vector<4x160xf32> to vector<4x160x1xf32>
    %add3A_169 = vector.broadcast %broadcast_in_dim3A_168 : vector<4x160x1xf32> to vector<4x160x128xf32>
    %add3A_170 = arith.addf %reshape3A_163, %add3A_169 : vector<4x160x128xf32>
    %convert_element_type3A = arith.fptosi %add3A_170 : vector<4x160x128xf32> to vector<4x160x128xi32>
    %sub3A_171 = arith.constant 1 : i32
    %sub3A_172 = vector.broadcast %sub3A_171 : i32 to vector<4x160x128xi32>
    %sub3A_173 = arith.subi %convert_element_type3A, %sub3A_172 : vector<4x160x128xi32>
    %jit3A_174 = arith.constant -1 : i32
    %broadcast_in_dim3A_175 = vector.broadcast %jit3A_174 : i32 to vector<4x160x128xi32>
    %select_n3A_176 = arith.select %or3A, %sub3A_173, %broadcast_in_dim3A_175 : vector<4x160x128xi1>, vector<4x160x128xi32>
    %swap3A_177 = arith.constant 0 : index
    %swap3A_178 = arith.constant 0 : index
    %swap3A_179 = arith.constant 0 : index
    %swap3A_180 = vector.load %arg14[%swap3A_177, %swap3A_178, %swap3A_179] : memref<4x160x128xi32, #tpu.memory_space<vmem>>, vector<4x160x128xi32>
    tpu.vector_store %arg14[%swap3A_177, %swap3A_178, %swap3A_179], %select_n3A_176 {strides = array<i32>} : memref<4x160x128xi32, #tpu.memory_space<vmem>>, vector<4x160x128xi32>,
    return
  }
}

module attributes {stable_mosaic.version = 14 : i64} {
  func.func @_nms_kernel(%arg0: i32, %arg1: memref<1x8x48x128xf32, #tpu.memory_space<vmem>>, %arg2: memref<1x8x48x128xf32, #tpu.memory_space<vmem>>, %arg3: memref<1x8x48x128xf32, #tpu.memory_space<vmem>>, %arg4: memref<1x8x48x128xf32, #tpu.memory_space<vmem>>, %arg5: memref<1x8x48x128xf32, #tpu.memory_space<vmem>>, %arg6: memref<1x1000x128xf32, #tpu.memory_space<vmem>>, %arg7: memref<1x1000x128xf32, #tpu.memory_space<vmem>>, %arg8: memref<1x1000x128xf32, #tpu.memory_space<vmem>>, %arg9: memref<1x1000x128xf32, #tpu.memory_space<vmem>>, %arg10: memref<1x1000x128xf32, #tpu.memory_space<vmem>>) attributes {dimension_semantics = [#tpu.dimension_semantics<parallel>], iteration_bounds = array<i64: 4>, scalar_prefetch = 0 : i64, scratch_operands = 0 : i64, tpu.core_type = #tpu.core_type<tc>, window_params = [{transform_indices = @transform_0, window_bounds = array<i64: 1, 8, 48, 128>}, {transform_indices = @transform_1, window_bounds = array<i64: 1, 8, 48, 128>}, {transform_indices = @transform_2, window_bounds = array<i64: 1, 8, 48, 128>}, {transform_indices = @transform_3, window_bounds = array<i64: 1, 8, 48, 128>}, {transform_indices = @transform_4, window_bounds = array<i64: 1, 8, 48, 128>}, {transform_indices = @transform_5, window_bounds = array<i64: 1, 1000, 128>}, {transform_indices = @transform_6, window_bounds = array<i64: 1, 1000, 128>}, {transform_indices = @transform_7, window_bounds = array<i64: 1, 1000, 128>}, {transform_indices = @transform_8, window_bounds = array<i64: 1, 1000, 128>}, {transform_indices = @transform_9, window_bounds = array<i64: 1, 1000, 128>}]} {
    %get3A = arith.constant 0 : index
    %get3A_0 = arith.constant 0 : index
    %get3A_1 = arith.constant 0 : index
    %get3A_2 = arith.constant 0 : index
    %get3A_3 = vector.load %arg1[%get3A, %get3A_0, %get3A_1, %get3A_2] : memref<1x8x48x128xf32, #tpu.memory_space<vmem>>, vector<1x8x48x128xf32>
    %slice3A = vector.extract_strided_slice %get3A_3 {offsets = [0, 0, 0, 0], sizes = [1, 1, 48, 128], strides = [1, 1, 1, 1]} : vector<1x8x48x128xf32> to vector<1x1x48x128xf32>
    %squeeze3A = vector.shape_cast %slice3A : vector<1x1x48x128xf32> to vector<1x48x128xf32>
    %slice3A_4 = vector.extract_strided_slice %get3A_3 {offsets = [0, 1, 0, 0], sizes = [1, 1, 48, 128], strides = [1, 1, 1, 1]} : vector<1x8x48x128xf32> to vector<1x1x48x128xf32>
    %squeeze3A_5 = vector.shape_cast %slice3A_4 : vector<1x1x48x128xf32> to vector<1x48x128xf32>
    %add3A = arith.addf %squeeze3A, %squeeze3A_5 : vector<1x48x128xf32>
    %slice3A_6 = vector.extract_strided_slice %get3A_3 {offsets = [0, 2, 0, 0], sizes = [1, 1, 48, 128], strides = [1, 1, 1, 1]} : vector<1x8x48x128xf32> to vector<1x1x48x128xf32>
    %squeeze3A_7 = vector.shape_cast %slice3A_6 : vector<1x1x48x128xf32> to vector<1x48x128xf32>
    %add3A_8 = arith.addf %add3A, %squeeze3A_7 : vector<1x48x128xf32>
    %slice3A_9 = vector.extract_strided_slice %get3A_3 {offsets = [0, 3, 0, 0], sizes = [1, 1, 48, 128], strides = [1, 1, 1, 1]} : vector<1x8x48x128xf32> to vector<1x1x48x128xf32>
    %squeeze3A_10 = vector.shape_cast %slice3A_9 : vector<1x1x48x128xf32> to vector<1x48x128xf32>
    %add3A_11 = arith.addf %add3A_8, %squeeze3A_10 : vector<1x48x128xf32>
    %slice3A_12 = vector.extract_strided_slice %get3A_3 {offsets = [0, 4, 0, 0], sizes = [1, 1, 48, 128], strides = [1, 1, 1, 1]} : vector<1x8x48x128xf32> to vector<1x1x48x128xf32>
    %squeeze3A_13 = vector.shape_cast %slice3A_12 : vector<1x1x48x128xf32> to vector<1x48x128xf32>
    %add3A_14 = arith.addf %add3A_11, %squeeze3A_13 : vector<1x48x128xf32>
    %slice3A_15 = vector.extract_strided_slice %get3A_3 {offsets = [0, 5, 0, 0], sizes = [1, 1, 48, 128], strides = [1, 1, 1, 1]} : vector<1x8x48x128xf32> to vector<1x1x48x128xf32>
    %squeeze3A_16 = vector.shape_cast %slice3A_15 : vector<1x1x48x128xf32> to vector<1x48x128xf32>
    %add3A_17 = arith.addf %add3A_14, %squeeze3A_16 : vector<1x48x128xf32>
    %slice3A_18 = vector.extract_strided_slice %get3A_3 {offsets = [0, 6, 0, 0], sizes = [1, 1, 48, 128], strides = [1, 1, 1, 1]} : vector<1x8x48x128xf32> to vector<1x1x48x128xf32>
    %squeeze3A_19 = vector.shape_cast %slice3A_18 : vector<1x1x48x128xf32> to vector<1x48x128xf32>
    %add3A_20 = arith.addf %add3A_17, %squeeze3A_19 : vector<1x48x128xf32>
    %slice3A_21 = vector.extract_strided_slice %get3A_3 {offsets = [0, 7, 0, 0], sizes = [1, 1, 48, 128], strides = [1, 1, 1, 1]} : vector<1x8x48x128xf32> to vector<1x1x48x128xf32>
    %squeeze3A_22 = vector.shape_cast %slice3A_21 : vector<1x1x48x128xf32> to vector<1x48x128xf32>
    %add3A_23 = arith.addf %add3A_20, %squeeze3A_22 : vector<1x48x128xf32>
    %get3A_24 = arith.constant 0 : index
    %get3A_25 = arith.constant 0 : index
    %get3A_26 = arith.constant 0 : index
    %get3A_27 = arith.constant 0 : index
    %get3A_28 = vector.load %arg2[%get3A_24, %get3A_25, %get3A_26, %get3A_27] : memref<1x8x48x128xf32, #tpu.memory_space<vmem>>, vector<1x8x48x128xf32>
    %slice3A_29 = vector.extract_strided_slice %get3A_28 {offsets = [0, 0, 0, 0], sizes = [1, 1, 48, 128], strides = [1, 1, 1, 1]} : vector<1x8x48x128xf32> to vector<1x1x48x128xf32>
    %squeeze3A_30 = vector.shape_cast %slice3A_29 : vector<1x1x48x128xf32> to vector<1x48x128xf32>
    %slice3A_31 = vector.extract_strided_slice %get3A_28 {offsets = [0, 1, 0, 0], sizes = [1, 1, 48, 128], strides = [1, 1, 1, 1]} : vector<1x8x48x128xf32> to vector<1x1x48x128xf32>
    %squeeze3A_32 = vector.shape_cast %slice3A_31 : vector<1x1x48x128xf32> to vector<1x48x128xf32>
    %add3A_33 = arith.addf %squeeze3A_30, %squeeze3A_32 : vector<1x48x128xf32>
    %slice3A_34 = vector.extract_strided_slice %get3A_28 {offsets = [0, 2, 0, 0], sizes = [1, 1, 48, 128], strides = [1, 1, 1, 1]} : vector<1x8x48x128xf32> to vector<1x1x48x128xf32>
    %squeeze3A_35 = vector.shape_cast %slice3A_34 : vector<1x1x48x128xf32> to vector<1x48x128xf32>
    %add3A_36 = arith.addf %add3A_33, %squeeze3A_35 : vector<1x48x128xf32>
    %slice3A_37 = vector.extract_strided_slice %get3A_28 {offsets = [0, 3, 0, 0], sizes = [1, 1, 48, 128], strides = [1, 1, 1, 1]} : vector<1x8x48x128xf32> to vector<1x1x48x128xf32>
    %squeeze3A_38 = vector.shape_cast %slice3A_37 : vector<1x1x48x128xf32> to vector<1x48x128xf32>
    %add3A_39 = arith.addf %add3A_36, %squeeze3A_38 : vector<1x48x128xf32>
    %slice3A_40 = vector.extract_strided_slice %get3A_28 {offsets = [0, 4, 0, 0], sizes = [1, 1, 48, 128], strides = [1, 1, 1, 1]} : vector<1x8x48x128xf32> to vector<1x1x48x128xf32>
    %squeeze3A_41 = vector.shape_cast %slice3A_40 : vector<1x1x48x128xf32> to vector<1x48x128xf32>
    %add3A_42 = arith.addf %add3A_39, %squeeze3A_41 : vector<1x48x128xf32>
    %slice3A_43 = vector.extract_strided_slice %get3A_28 {offsets = [0, 5, 0, 0], sizes = [1, 1, 48, 128], strides = [1, 1, 1, 1]} : vector<1x8x48x128xf32> to vector<1x1x48x128xf32>
    %squeeze3A_44 = vector.shape_cast %slice3A_43 : vector<1x1x48x128xf32> to vector<1x48x128xf32>
    %add3A_45 = arith.addf %add3A_42, %squeeze3A_44 : vector<1x48x128xf32>
    %slice3A_46 = vector.extract_strided_slice %get3A_28 {offsets = [0, 6, 0, 0], sizes = [1, 1, 48, 128], strides = [1, 1, 1, 1]} : vector<1x8x48x128xf32> to vector<1x1x48x128xf32>
    %squeeze3A_47 = vector.shape_cast %slice3A_46 : vector<1x1x48x128xf32> to vector<1x48x128xf32>
    %add3A_48 = arith.addf %add3A_45, %squeeze3A_47 : vector<1x48x128xf32>
    %slice3A_49 = vector.extract_strided_slice %get3A_28 {offsets = [0, 7, 0, 0], sizes = [1, 1, 48, 128], strides = [1, 1, 1, 1]} : vector<1x8x48x128xf32> to vector<1x1x48x128xf32>
    %squeeze3A_50 = vector.shape_cast %slice3A_49 : vector<1x1x48x128xf32> to vector<1x48x128xf32>
    %add3A_51 = arith.addf %add3A_48, %squeeze3A_50 : vector<1x48x128xf32>
    %get3A_52 = arith.constant 0 : index
    %get3A_53 = arith.constant 0 : index
    %get3A_54 = arith.constant 0 : index
    %get3A_55 = arith.constant 0 : index
    %get3A_56 = vector.load %arg3[%get3A_52, %get3A_53, %get3A_54, %get3A_55] : memref<1x8x48x128xf32, #tpu.memory_space<vmem>>, vector<1x8x48x128xf32>
    %slice3A_57 = vector.extract_strided_slice %get3A_56 {offsets = [0, 0, 0, 0], sizes = [1, 1, 48, 128], strides = [1, 1, 1, 1]} : vector<1x8x48x128xf32> to vector<1x1x48x128xf32>
    %squeeze3A_58 = vector.shape_cast %slice3A_57 : vector<1x1x48x128xf32> to vector<1x48x128xf32>
    %slice3A_59 = vector.extract_strided_slice %get3A_56 {offsets = [0, 1, 0, 0], sizes = [1, 1, 48, 128], strides = [1, 1, 1, 1]} : vector<1x8x48x128xf32> to vector<1x1x48x128xf32>
    %squeeze3A_60 = vector.shape_cast %slice3A_59 : vector<1x1x48x128xf32> to vector<1x48x128xf32>
    %add3A_61 = arith.addf %squeeze3A_58, %squeeze3A_60 : vector<1x48x128xf32>
    %slice3A_62 = vector.extract_strided_slice %get3A_56 {offsets = [0, 2, 0, 0], sizes = [1, 1, 48, 128], strides = [1, 1, 1, 1]} : vector<1x8x48x128xf32> to vector<1x1x48x128xf32>
    %squeeze3A_63 = vector.shape_cast %slice3A_62 : vector<1x1x48x128xf32> to vector<1x48x128xf32>
    %add3A_64 = arith.addf %add3A_61, %squeeze3A_63 : vector<1x48x128xf32>
    %slice3A_65 = vector.extract_strided_slice %get3A_56 {offsets = [0, 3, 0, 0], sizes = [1, 1, 48, 128], strides = [1, 1, 1, 1]} : vector<1x8x48x128xf32> to vector<1x1x48x128xf32>
    %squeeze3A_66 = vector.shape_cast %slice3A_65 : vector<1x1x48x128xf32> to vector<1x48x128xf32>
    %add3A_67 = arith.addf %add3A_64, %squeeze3A_66 : vector<1x48x128xf32>
    %slice3A_68 = vector.extract_strided_slice %get3A_56 {offsets = [0, 4, 0, 0], sizes = [1, 1, 48, 128], strides = [1, 1, 1, 1]} : vector<1x8x48x128xf32> to vector<1x1x48x128xf32>
    %squeeze3A_69 = vector.shape_cast %slice3A_68 : vector<1x1x48x128xf32> to vector<1x48x128xf32>
    %add3A_70 = arith.addf %add3A_67, %squeeze3A_69 : vector<1x48x128xf32>
    %slice3A_71 = vector.extract_strided_slice %get3A_56 {offsets = [0, 5, 0, 0], sizes = [1, 1, 48, 128], strides = [1, 1, 1, 1]} : vector<1x8x48x128xf32> to vector<1x1x48x128xf32>
    %squeeze3A_72 = vector.shape_cast %slice3A_71 : vector<1x1x48x128xf32> to vector<1x48x128xf32>
    %add3A_73 = arith.addf %add3A_70, %squeeze3A_72 : vector<1x48x128xf32>
    %slice3A_74 = vector.extract_strided_slice %get3A_56 {offsets = [0, 6, 0, 0], sizes = [1, 1, 48, 128], strides = [1, 1, 1, 1]} : vector<1x8x48x128xf32> to vector<1x1x48x128xf32>
    %squeeze3A_75 = vector.shape_cast %slice3A_74 : vector<1x1x48x128xf32> to vector<1x48x128xf32>
    %add3A_76 = arith.addf %add3A_73, %squeeze3A_75 : vector<1x48x128xf32>
    %slice3A_77 = vector.extract_strided_slice %get3A_56 {offsets = [0, 7, 0, 0], sizes = [1, 1, 48, 128], strides = [1, 1, 1, 1]} : vector<1x8x48x128xf32> to vector<1x1x48x128xf32>
    %squeeze3A_78 = vector.shape_cast %slice3A_77 : vector<1x1x48x128xf32> to vector<1x48x128xf32>
    %add3A_79 = arith.addf %add3A_76, %squeeze3A_78 : vector<1x48x128xf32>
    %get3A_80 = arith.constant 0 : index
    %get3A_81 = arith.constant 0 : index
    %get3A_82 = arith.constant 0 : index
    %get3A_83 = arith.constant 0 : index
    %get3A_84 = vector.load %arg4[%get3A_80, %get3A_81, %get3A_82, %get3A_83] : memref<1x8x48x128xf32, #tpu.memory_space<vmem>>, vector<1x8x48x128xf32>
    %slice3A_85 = vector.extract_strided_slice %get3A_84 {offsets = [0, 0, 0, 0], sizes = [1, 1, 48, 128], strides = [1, 1, 1, 1]} : vector<1x8x48x128xf32> to vector<1x1x48x128xf32>
    %squeeze3A_86 = vector.shape_cast %slice3A_85 : vector<1x1x48x128xf32> to vector<1x48x128xf32>
    %slice3A_87 = vector.extract_strided_slice %get3A_84 {offsets = [0, 1, 0, 0], sizes = [1, 1, 48, 128], strides = [1, 1, 1, 1]} : vector<1x8x48x128xf32> to vector<1x1x48x128xf32>
    %squeeze3A_88 = vector.shape_cast %slice3A_87 : vector<1x1x48x128xf32> to vector<1x48x128xf32>
    %add3A_89 = arith.addf %squeeze3A_86, %squeeze3A_88 : vector<1x48x128xf32>
    %slice3A_90 = vector.extract_strided_slice %get3A_84 {offsets = [0, 2, 0, 0], sizes = [1, 1, 48, 128], strides = [1, 1, 1, 1]} : vector<1x8x48x128xf32> to vector<1x1x48x128xf32>
    %squeeze3A_91 = vector.shape_cast %slice3A_90 : vector<1x1x48x128xf32> to vector<1x48x128xf32>
    %add3A_92 = arith.addf %add3A_89, %squeeze3A_91 : vector<1x48x128xf32>
    %slice3A_93 = vector.extract_strided_slice %get3A_84 {offsets = [0, 3, 0, 0], sizes = [1, 1, 48, 128], strides = [1, 1, 1, 1]} : vector<1x8x48x128xf32> to vector<1x1x48x128xf32>
    %squeeze3A_94 = vector.shape_cast %slice3A_93 : vector<1x1x48x128xf32> to vector<1x48x128xf32>
    %add3A_95 = arith.addf %add3A_92, %squeeze3A_94 : vector<1x48x128xf32>
    %slice3A_96 = vector.extract_strided_slice %get3A_84 {offsets = [0, 4, 0, 0], sizes = [1, 1, 48, 128], strides = [1, 1, 1, 1]} : vector<1x8x48x128xf32> to vector<1x1x48x128xf32>
    %squeeze3A_97 = vector.shape_cast %slice3A_96 : vector<1x1x48x128xf32> to vector<1x48x128xf32>
    %add3A_98 = arith.addf %add3A_95, %squeeze3A_97 : vector<1x48x128xf32>
    %slice3A_99 = vector.extract_strided_slice %get3A_84 {offsets = [0, 5, 0, 0], sizes = [1, 1, 48, 128], strides = [1, 1, 1, 1]} : vector<1x8x48x128xf32> to vector<1x1x48x128xf32>
    %squeeze3A_100 = vector.shape_cast %slice3A_99 : vector<1x1x48x128xf32> to vector<1x48x128xf32>
    %add3A_101 = arith.addf %add3A_98, %squeeze3A_100 : vector<1x48x128xf32>
    %slice3A_102 = vector.extract_strided_slice %get3A_84 {offsets = [0, 6, 0, 0], sizes = [1, 1, 48, 128], strides = [1, 1, 1, 1]} : vector<1x8x48x128xf32> to vector<1x1x48x128xf32>
    %squeeze3A_103 = vector.shape_cast %slice3A_102 : vector<1x1x48x128xf32> to vector<1x48x128xf32>
    %add3A_104 = arith.addf %add3A_101, %squeeze3A_103 : vector<1x48x128xf32>
    %slice3A_105 = vector.extract_strided_slice %get3A_84 {offsets = [0, 7, 0, 0], sizes = [1, 1, 48, 128], strides = [1, 1, 1, 1]} : vector<1x8x48x128xf32> to vector<1x1x48x128xf32>
    %squeeze3A_106 = vector.shape_cast %slice3A_105 : vector<1x1x48x128xf32> to vector<1x48x128xf32>
    %add3A_107 = arith.addf %add3A_104, %squeeze3A_106 : vector<1x48x128xf32>
    %get3A_108 = arith.constant 0 : index
    %get3A_109 = arith.constant 0 : index
    %get3A_110 = arith.constant 0 : index
    %get3A_111 = arith.constant 0 : index
    %get3A_112 = vector.load %arg5[%get3A_108, %get3A_109, %get3A_110, %get3A_111] : memref<1x8x48x128xf32, #tpu.memory_space<vmem>>, vector<1x8x48x128xf32>
    %slice3A_113 = vector.extract_strided_slice %get3A_112 {offsets = [0, 0, 0, 0], sizes = [1, 1, 48, 128], strides = [1, 1, 1, 1]} : vector<1x8x48x128xf32> to vector<1x1x48x128xf32>
    %squeeze3A_114 = vector.shape_cast %slice3A_113 : vector<1x1x48x128xf32> to vector<1x48x128xf32>
    %slice3A_115 = vector.extract_strided_slice %get3A_112 {offsets = [0, 1, 0, 0], sizes = [1, 1, 48, 128], strides = [1, 1, 1, 1]} : vector<1x8x48x128xf32> to vector<1x1x48x128xf32>
    %squeeze3A_116 = vector.shape_cast %slice3A_115 : vector<1x1x48x128xf32> to vector<1x48x128xf32>
    %add3A_117 = arith.addf %squeeze3A_114, %squeeze3A_116 : vector<1x48x128xf32>
    %slice3A_118 = vector.extract_strided_slice %get3A_112 {offsets = [0, 2, 0, 0], sizes = [1, 1, 48, 128], strides = [1, 1, 1, 1]} : vector<1x8x48x128xf32> to vector<1x1x48x128xf32>
    %squeeze3A_119 = vector.shape_cast %slice3A_118 : vector<1x1x48x128xf32> to vector<1x48x128xf32>
    %add3A_120 = arith.addf %add3A_117, %squeeze3A_119 : vector<1x48x128xf32>
    %slice3A_121 = vector.extract_strided_slice %get3A_112 {offsets = [0, 3, 0, 0], sizes = [1, 1, 48, 128], strides = [1, 1, 1, 1]} : vector<1x8x48x128xf32> to vector<1x1x48x128xf32>
    %squeeze3A_122 = vector.shape_cast %slice3A_121 : vector<1x1x48x128xf32> to vector<1x48x128xf32>
    %add3A_123 = arith.addf %add3A_120, %squeeze3A_122 : vector<1x48x128xf32>
    %slice3A_124 = vector.extract_strided_slice %get3A_112 {offsets = [0, 4, 0, 0], sizes = [1, 1, 48, 128], strides = [1, 1, 1, 1]} : vector<1x8x48x128xf32> to vector<1x1x48x128xf32>
    %squeeze3A_125 = vector.shape_cast %slice3A_124 : vector<1x1x48x128xf32> to vector<1x48x128xf32>
    %add3A_126 = arith.addf %add3A_123, %squeeze3A_125 : vector<1x48x128xf32>
    %slice3A_127 = vector.extract_strided_slice %get3A_112 {offsets = [0, 5, 0, 0], sizes = [1, 1, 48, 128], strides = [1, 1, 1, 1]} : vector<1x8x48x128xf32> to vector<1x1x48x128xf32>
    %squeeze3A_128 = vector.shape_cast %slice3A_127 : vector<1x1x48x128xf32> to vector<1x48x128xf32>
    %add3A_129 = arith.addf %add3A_126, %squeeze3A_128 : vector<1x48x128xf32>
    %slice3A_130 = vector.extract_strided_slice %get3A_112 {offsets = [0, 6, 0, 0], sizes = [1, 1, 48, 128], strides = [1, 1, 1, 1]} : vector<1x8x48x128xf32> to vector<1x1x48x128xf32>
    %squeeze3A_131 = vector.shape_cast %slice3A_130 : vector<1x1x48x128xf32> to vector<1x48x128xf32>
    %add3A_132 = arith.addf %add3A_129, %squeeze3A_131 : vector<1x48x128xf32>
    %slice3A_133 = vector.extract_strided_slice %get3A_112 {offsets = [0, 7, 0, 0], sizes = [1, 1, 48, 128], strides = [1, 1, 1, 1]} : vector<1x8x48x128xf32> to vector<1x1x48x128xf32>
    %squeeze3A_134 = vector.shape_cast %slice3A_133 : vector<1x1x48x128xf32> to vector<1x48x128xf32>
    %add3A_135 = arith.addf %add3A_132, %squeeze3A_134 : vector<1x48x128xf32>
    %sub3A = arith.subf %add3A_79, %add3A_23 : vector<1x48x128xf32>
    %sub3A_136 = arith.subf %add3A_107, %add3A_51 : vector<1x48x128xf32>
    %mul3A = arith.mulf %sub3A, %sub3A_136 : vector<1x48x128xf32>
    %iota3A = tpu.iota {dimensions = array<i32: 1>} : vector<1x48x128xi32>
    %mul3A_137 = arith.constant 128 : i32
    %mul3A_138 = vector.broadcast %mul3A_137 : i32 to vector<1x48x128xi32>
    %mul3A_139 = arith.muli %iota3A, %mul3A_138 : vector<1x48x128xi32>
    %iota3A_140 = tpu.iota {dimensions = array<i32: 2>} : vector<1x48x128xi32>
    %add3A_141 = arith.addi %mul3A_139, %iota3A_140 : vector<1x48x128xi32>
    %broadcast_in_dim3A = arith.constant 0.000000e+00 : f32
    %broadcast_in_dim3A_142 = vector.broadcast %broadcast_in_dim3A : f32 to vector<1x1000x128xf32>
    %swap3A = arith.constant 0 : index
    %swap3A_143 = arith.constant 0 : index
    %swap3A_144 = arith.constant 0 : index
    %swap3A_145 = vector.load %arg6[%swap3A, %swap3A_143, %swap3A_144] : memref<1x1000x128xf32, #tpu.memory_space<vmem>>, vector<1x1000x128xf32>
    tpu.vector_store %arg6[%swap3A, %swap3A_143, %swap3A_144], %broadcast_in_dim3A_142 {strides = array<i32>} : memref<1x1000x128xf32, #tpu.memory_space<vmem>>, vector<1x1000x128xf32>,
    %swap3A_146 = arith.constant 0 : index
    %swap3A_147 = arith.constant 0 : index
    %swap3A_148 = arith.constant 0 : index
    %swap3A_149 = vector.load %arg7[%swap3A_146, %swap3A_147, %swap3A_148] : memref<1x1000x128xf32, #tpu.memory_space<vmem>>, vector<1x1000x128xf32>
    tpu.vector_store %arg7[%swap3A_146, %swap3A_147, %swap3A_148], %broadcast_in_dim3A_142 {strides = array<i32>} : memref<1x1000x128xf32, #tpu.memory_space<vmem>>, vector<1x1000x128xf32>,
    %swap3A_150 = arith.constant 0 : index
    %swap3A_151 = arith.constant 0 : index
    %swap3A_152 = arith.constant 0 : index
    %swap3A_153 = vector.load %arg8[%swap3A_150, %swap3A_151, %swap3A_152] : memref<1x1000x128xf32, #tpu.memory_space<vmem>>, vector<1x1000x128xf32>
    tpu.vector_store %arg8[%swap3A_150, %swap3A_151, %swap3A_152], %broadcast_in_dim3A_142 {strides = array<i32>} : memref<1x1000x128xf32, #tpu.memory_space<vmem>>, vector<1x1000x128xf32>,
    %swap3A_154 = arith.constant 0 : index
    %swap3A_155 = arith.constant 0 : index
    %swap3A_156 = arith.constant 0 : index
    %swap3A_157 = vector.load %arg9[%swap3A_154, %swap3A_155, %swap3A_156] : memref<1x1000x128xf32, #tpu.memory_space<vmem>>, vector<1x1000x128xf32>
    tpu.vector_store %arg9[%swap3A_154, %swap3A_155, %swap3A_156], %broadcast_in_dim3A_142 {strides = array<i32>} : memref<1x1000x128xf32, #tpu.memory_space<vmem>>, vector<1x1000x128xf32>,
    %swap3A_158 = arith.constant 0 : index
    %swap3A_159 = arith.constant 0 : index
    %swap3A_160 = arith.constant 0 : index
    %swap3A_161 = vector.load %arg10[%swap3A_158, %swap3A_159, %swap3A_160] : memref<1x1000x128xf32, #tpu.memory_space<vmem>>, vector<1x1000x128xf32>
    tpu.vector_store %arg10[%swap3A_158, %swap3A_159, %swap3A_160], %broadcast_in_dim3A_142 {strides = array<i32>} : memref<1x1000x128xf32, #tpu.memory_space<vmem>>, vector<1x1000x128xf32>,
    %lt3A = arith.constant 6000 : i32
    %lt3A_162 = vector.broadcast %lt3A : i32 to vector<1x48x128xi32>
    %lt3A_163 = arith.cmpi slt, %add3A_141, %lt3A_162 : vector<1x48x128xi32>
    %jit3A = arith.constant -1.000000e+30 : f32
    %broadcast_in_dim3A_164 = vector.broadcast %jit3A : f32 to vector<1x48x128xf32>
    %select_n3A = arith.select %lt3A_163, %add3A_135, %broadcast_in_dim3A_164 : vector<1x48x128xi1>, vector<1x48x128xf32>
    %scan3A = arith.constant 1073741824 : i32
    %scan3A_165 = arith.constant -1.000000e+30 : f32
    %scan3A_166 = arith.constant 0 : i32
    %scan3A_167 = arith.constant 1000 : i32
    %scan3A_168 = arith.addi %scan3A_166, %scan3A_167 : i32
    %scan3A_169 = arith.constant 1 : i32
    %scan3A_170 = scf.for %scan3A_172 = %scan3A_166 to %scan3A_168 step %scan3A_169 iter_args(%scan3A_173 = %select_n3A) -> (vector<1x48x128xf32>)  : i32 {
      %reduce_max3A = arith.constant dense<0xFF800000> : vector<1xf32>
      %reduce_max3A_174 = vector.multi_reduction <maximumf>, %scan3A_173, %reduce_max3A [1, 2] : vector<1x48x128xf32> to vector<1xf32>
      %broadcast_in_dim3A_175 = vector.shape_cast %reduce_max3A_174 : vector<1xf32> to vector<1x1x1xf32>
      %gt3A = arith.constant -1.000000e+29 : f32
      %gt3A_176 = vector.broadcast %gt3A : f32 to vector<1x1x1xf32>
      %gt3A_177 = arith.cmpf ogt, %broadcast_in_dim3A_175, %gt3A_176 : vector<1x1x1xf32>
      %eq3A = vector.broadcast %broadcast_in_dim3A_175 : vector<1x1x1xf32> to vector<1x48x128xf32>
      %eq3A_178 = arith.cmpf oeq, %scan3A_173, %eq3A : vector<1x48x128xf32>
      %broadcast_in_dim3A_179 = vector.broadcast %scan3A : i32 to vector<1x48x128xi32>
      %select_n3A_180 = arith.select %eq3A_178, %add3A_141, %broadcast_in_dim3A_179 : vector<1x48x128xi1>, vector<1x48x128xi32>
      %reduce_min3A = arith.constant dense<2147483647> : vector<1xi32>
      %reduce_min3A_181 = vector.multi_reduction <minsi>, %select_n3A_180, %reduce_min3A [1, 2] : vector<1x48x128xi32> to vector<1xi32>
      %broadcast_in_dim3A_182 = vector.shape_cast %reduce_min3A_181 : vector<1xi32> to vector<1x1x1xi32>
      %eq3A_183 = vector.broadcast %broadcast_in_dim3A_182 : vector<1x1x1xi32> to vector<1x48x128xi32>
      %eq3A_184 = arith.cmpi eq, %add3A_141, %eq3A_183 : vector<1x48x128xi32>
      %jit3A_185 = arith.constant 0.000000e+00 : f32
      %broadcast_in_dim3A_186 = vector.broadcast %jit3A_185 : f32 to vector<1x48x128xf32>
      %select_n3A_187 = arith.select %eq3A_184, %add3A_23, %broadcast_in_dim3A_186 : vector<1x48x128xi1>, vector<1x48x128xf32>
      %reduce_sum3A = arith.constant dense<0.000000e+00> : vector<1xf32>
      %reduce_sum3A_188 = vector.multi_reduction <add>, %select_n3A_187, %reduce_sum3A [1, 2] : vector<1x48x128xf32> to vector<1xf32>
      %broadcast_in_dim3A_189 = vector.shape_cast %reduce_sum3A_188 : vector<1xf32> to vector<1x1x1xf32>
      %jit3A_190 = arith.constant 0.000000e+00 : f32
      %broadcast_in_dim3A_191 = vector.broadcast %jit3A_190 : f32 to vector<1x48x128xf32>
      %select_n3A_192 = arith.select %eq3A_184, %add3A_51, %broadcast_in_dim3A_191 : vector<1x48x128xi1>, vector<1x48x128xf32>
      %reduce_sum3A_193 = arith.constant dense<0.000000e+00> : vector<1xf32>
      %reduce_sum3A_194 = vector.multi_reduction <add>, %select_n3A_192, %reduce_sum3A_193 [1, 2] : vector<1x48x128xf32> to vector<1xf32>
      %broadcast_in_dim3A_195 = vector.shape_cast %reduce_sum3A_194 : vector<1xf32> to vector<1x1x1xf32>
      %jit3A_196 = arith.constant 0.000000e+00 : f32
      %broadcast_in_dim3A_197 = vector.broadcast %jit3A_196 : f32 to vector<1x48x128xf32>
      %select_n3A_198 = arith.select %eq3A_184, %add3A_79, %broadcast_in_dim3A_197 : vector<1x48x128xi1>, vector<1x48x128xf32>
      %reduce_sum3A_199 = arith.constant dense<0.000000e+00> : vector<1xf32>
      %reduce_sum3A_200 = vector.multi_reduction <add>, %select_n3A_198, %reduce_sum3A_199 [1, 2] : vector<1x48x128xf32> to vector<1xf32>
      %broadcast_in_dim3A_201 = vector.shape_cast %reduce_sum3A_200 : vector<1xf32> to vector<1x1x1xf32>
      %jit3A_202 = arith.constant 0.000000e+00 : f32
      %broadcast_in_dim3A_203 = vector.broadcast %jit3A_202 : f32 to vector<1x48x128xf32>
      %select_n3A_204 = arith.select %eq3A_184, %add3A_107, %broadcast_in_dim3A_203 : vector<1x48x128xi1>, vector<1x48x128xf32>
      %reduce_sum3A_205 = arith.constant dense<0.000000e+00> : vector<1xf32>
      %reduce_sum3A_206 = vector.multi_reduction <add>, %select_n3A_204, %reduce_sum3A_205 [1, 2] : vector<1x48x128xf32> to vector<1xf32>
      %broadcast_in_dim3A_207 = vector.shape_cast %reduce_sum3A_206 : vector<1xf32> to vector<1x1x1xf32>
      %max3A = vector.broadcast %broadcast_in_dim3A_189 : vector<1x1x1xf32> to vector<1x48x128xf32>
      %max3A_208 = arith.maximumf %max3A, %add3A_23 : vector<1x48x128xf32>
      %max3A_209 = vector.broadcast %broadcast_in_dim3A_195 : vector<1x1x1xf32> to vector<1x48x128xf32>
      %max3A_210 = arith.maximumf %max3A_209, %add3A_51 : vector<1x48x128xf32>
      %min3A = vector.broadcast %broadcast_in_dim3A_201 : vector<1x1x1xf32> to vector<1x48x128xf32>
      %min3A_211 = arith.minimumf %min3A, %add3A_79 : vector<1x48x128xf32>
      %min3A_212 = vector.broadcast %broadcast_in_dim3A_207 : vector<1x1x1xf32> to vector<1x48x128xf32>
      %min3A_213 = arith.minimumf %min3A_212, %add3A_107 : vector<1x48x128xf32>
      %sub3A_214 = arith.subf %min3A_211, %max3A_208 : vector<1x48x128xf32>
      %max3A_215 = arith.constant 0.000000e+00 : f32
      %max3A_216 = vector.broadcast %max3A_215 : f32 to vector<1x48x128xf32>
      %max3A_217 = arith.maximumf %sub3A_214, %max3A_216 : vector<1x48x128xf32>
      %sub3A_218 = arith.subf %min3A_213, %max3A_210 : vector<1x48x128xf32>
      %max3A_219 = arith.constant 0.000000e+00 : f32
      %max3A_220 = vector.broadcast %max3A_219 : f32 to vector<1x48x128xf32>
      %max3A_221 = arith.maximumf %sub3A_218, %max3A_220 : vector<1x48x128xf32>
      %mul3A_222 = arith.mulf %max3A_217, %max3A_221 : vector<1x48x128xf32>
      %sub3A_223 = arith.subf %broadcast_in_dim3A_201, %broadcast_in_dim3A_189 : vector<1x1x1xf32>
      %sub3A_224 = arith.subf %broadcast_in_dim3A_207, %broadcast_in_dim3A_195 : vector<1x1x1xf32>
      %mul3A_225 = arith.mulf %sub3A_223, %sub3A_224 : vector<1x1x1xf32>
      %add3A_226 = vector.broadcast %mul3A_225 : vector<1x1x1xf32> to vector<1x48x128xf32>
      %add3A_227 = arith.addf %add3A_226, %mul3A : vector<1x48x128xf32>
      %sub3A_228 = arith.subf %add3A_227, %mul3A_222 : vector<1x48x128xf32>
      %max3A_229 = arith.constant 9.99999993E-9 : f32
      %max3A_230 = vector.broadcast %max3A_229 : f32 to vector<1x48x128xf32>
      %max3A_231 = arith.maximumf %sub3A_228, %max3A_230 : vector<1x48x128xf32>
      %div3A = arith.divf %mul3A_222, %max3A_231 : vector<1x48x128xf32>
      %gt3A_232 = arith.constant 0.699999988 : f32
      %gt3A_233 = vector.broadcast %gt3A_232 : f32 to vector<1x48x128xf32>
      %gt3A_234 = arith.cmpf ogt, %div3A, %gt3A_233 : vector<1x48x128xf32>
      %or3A = arith.ori %gt3A_234, %eq3A_184 : vector<1x48x128xi1>
      %and3A = vector.broadcast %gt3A_177 : vector<1x1x1xi1> to vector<1x48x128xi1>
      %and3A_235 = arith.andi %and3A, %or3A : vector<1x48x128xi1>
      %broadcast_in_dim3A_236 = vector.broadcast %scan3A_165 : f32 to vector<1x48x128xf32>
      %select_n3A_237 = arith.select %and3A_235, %broadcast_in_dim3A_236, %scan3A_173 : vector<1x48x128xi1>, vector<1x48x128xf32>
      %jit3A_238 = arith.constant 0.000000e+00 : f32
      %broadcast_in_dim3A_239 = vector.broadcast %jit3A_238 : f32 to vector<1x1x1xf32>
      %select_n3A_240 = arith.select %gt3A_177, %broadcast_in_dim3A_189, %broadcast_in_dim3A_239 : vector<1x1x1xi1>, vector<1x1x1xf32>
      %reshape3A = vector.shape_cast %select_n3A_240 : vector<1x1x1xf32> to vector<1x1xf32>
      %broadcast_in_dim3A_241 = vector.shape_cast %reshape3A : vector<1x1xf32> to vector<1x1xf32>
      %broadcast_in_dim3A_242 = vector.broadcast %broadcast_in_dim3A_241 : vector<1x1xf32> to vector<1x128xf32>
      %swap3A_243 = arith.constant 0 : index
      %swap3A_244 = arith.index_cast %scan3A_172 : i32 to index
      %swap3A_245 = arith.constant 0 : index
      %swap3A_246 = vector.load %arg6[%swap3A_243, %swap3A_244, %swap3A_245] : memref<1x1000x128xf32, #tpu.memory_space<vmem>>, vector<1x1x128xf32>
      %swap3A_247 = vector.shape_cast %swap3A_246 : vector<1x1x128xf32> to vector<1x128xf32>
      %swap3A_248 = vector.shape_cast %broadcast_in_dim3A_242 : vector<1x128xf32> to vector<1x1x128xf32>
      tpu.vector_store %arg6[%swap3A_243, %swap3A_244, %swap3A_245], %swap3A_248 {strides = array<i32>} : memref<1x1000x128xf32, #tpu.memory_space<vmem>>, vector<1x1x128xf32>,
      %jit3A_249 = arith.constant 0.000000e+00 : f32
      %broadcast_in_dim3A_250 = vector.broadcast %jit3A_249 : f32 to vector<1x1x1xf32>
      %select_n3A_251 = arith.select %gt3A_177, %broadcast_in_dim3A_195, %broadcast_in_dim3A_250 : vector<1x1x1xi1>, vector<1x1x1xf32>
      %reshape3A_252 = vector.shape_cast %select_n3A_251 : vector<1x1x1xf32> to vector<1x1xf32>
      %broadcast_in_dim3A_253 = vector.shape_cast %reshape3A_252 : vector<1x1xf32> to vector<1x1xf32>
      %broadcast_in_dim3A_254 = vector.broadcast %broadcast_in_dim3A_253 : vector<1x1xf32> to vector<1x128xf32>
      %swap3A_255 = arith.constant 0 : index
      %swap3A_256 = arith.index_cast %scan3A_172 : i32 to index
      %swap3A_257 = arith.constant 0 : index
      %swap3A_258 = vector.load %arg7[%swap3A_255, %swap3A_256, %swap3A_257] : memref<1x1000x128xf32, #tpu.memory_space<vmem>>, vector<1x1x128xf32>
      %swap3A_259 = vector.shape_cast %swap3A_258 : vector<1x1x128xf32> to vector<1x128xf32>
      %swap3A_260 = vector.shape_cast %broadcast_in_dim3A_254 : vector<1x128xf32> to vector<1x1x128xf32>
      tpu.vector_store %arg7[%swap3A_255, %swap3A_256, %swap3A_257], %swap3A_260 {strides = array<i32>} : memref<1x1000x128xf32, #tpu.memory_space<vmem>>, vector<1x1x128xf32>,
      %jit3A_261 = arith.constant 0.000000e+00 : f32
      %broadcast_in_dim3A_262 = vector.broadcast %jit3A_261 : f32 to vector<1x1x1xf32>
      %select_n3A_263 = arith.select %gt3A_177, %broadcast_in_dim3A_201, %broadcast_in_dim3A_262 : vector<1x1x1xi1>, vector<1x1x1xf32>
      %reshape3A_264 = vector.shape_cast %select_n3A_263 : vector<1x1x1xf32> to vector<1x1xf32>
      %broadcast_in_dim3A_265 = vector.shape_cast %reshape3A_264 : vector<1x1xf32> to vector<1x1xf32>
      %broadcast_in_dim3A_266 = vector.broadcast %broadcast_in_dim3A_265 : vector<1x1xf32> to vector<1x128xf32>
      %swap3A_267 = arith.constant 0 : index
      %swap3A_268 = arith.index_cast %scan3A_172 : i32 to index
      %swap3A_269 = arith.constant 0 : index
      %swap3A_270 = vector.load %arg8[%swap3A_267, %swap3A_268, %swap3A_269] : memref<1x1000x128xf32, #tpu.memory_space<vmem>>, vector<1x1x128xf32>
      %swap3A_271 = vector.shape_cast %swap3A_270 : vector<1x1x128xf32> to vector<1x128xf32>
      %swap3A_272 = vector.shape_cast %broadcast_in_dim3A_266 : vector<1x128xf32> to vector<1x1x128xf32>
      tpu.vector_store %arg8[%swap3A_267, %swap3A_268, %swap3A_269], %swap3A_272 {strides = array<i32>} : memref<1x1000x128xf32, #tpu.memory_space<vmem>>, vector<1x1x128xf32>,
      %jit3A_273 = arith.constant 0.000000e+00 : f32
      %broadcast_in_dim3A_274 = vector.broadcast %jit3A_273 : f32 to vector<1x1x1xf32>
      %select_n3A_275 = arith.select %gt3A_177, %broadcast_in_dim3A_207, %broadcast_in_dim3A_274 : vector<1x1x1xi1>, vector<1x1x1xf32>
      %reshape3A_276 = vector.shape_cast %select_n3A_275 : vector<1x1x1xf32> to vector<1x1xf32>
      %broadcast_in_dim3A_277 = vector.shape_cast %reshape3A_276 : vector<1x1xf32> to vector<1x1xf32>
      %broadcast_in_dim3A_278 = vector.broadcast %broadcast_in_dim3A_277 : vector<1x1xf32> to vector<1x128xf32>
      %swap3A_279 = arith.constant 0 : index
      %swap3A_280 = arith.index_cast %scan3A_172 : i32 to index
      %swap3A_281 = arith.constant 0 : index
      %swap3A_282 = vector.load %arg9[%swap3A_279, %swap3A_280, %swap3A_281] : memref<1x1000x128xf32, #tpu.memory_space<vmem>>, vector<1x1x128xf32>
      %swap3A_283 = vector.shape_cast %swap3A_282 : vector<1x1x128xf32> to vector<1x128xf32>
      %swap3A_284 = vector.shape_cast %broadcast_in_dim3A_278 : vector<1x128xf32> to vector<1x1x128xf32>
      tpu.vector_store %arg9[%swap3A_279, %swap3A_280, %swap3A_281], %swap3A_284 {strides = array<i32>} : memref<1x1000x128xf32, #tpu.memory_space<vmem>>, vector<1x1x128xf32>,
      %jit3A_285 = arith.constant 0.000000e+00 : f32
      %broadcast_in_dim3A_286 = vector.broadcast %jit3A_285 : f32 to vector<1x1x1xf32>
      %select_n3A_287 = arith.select %gt3A_177, %broadcast_in_dim3A_175, %broadcast_in_dim3A_286 : vector<1x1x1xi1>, vector<1x1x1xf32>
      %reshape3A_288 = vector.shape_cast %select_n3A_287 : vector<1x1x1xf32> to vector<1x1xf32>
      %broadcast_in_dim3A_289 = vector.shape_cast %reshape3A_288 : vector<1x1xf32> to vector<1x1xf32>
      %broadcast_in_dim3A_290 = vector.broadcast %broadcast_in_dim3A_289 : vector<1x1xf32> to vector<1x128xf32>
      %swap3A_291 = arith.constant 0 : index
      %swap3A_292 = arith.index_cast %scan3A_172 : i32 to index
      %swap3A_293 = arith.constant 0 : index
      %swap3A_294 = vector.load %arg10[%swap3A_291, %swap3A_292, %swap3A_293] : memref<1x1000x128xf32, #tpu.memory_space<vmem>>, vector<1x1x128xf32>
      %swap3A_295 = vector.shape_cast %swap3A_294 : vector<1x1x128xf32> to vector<1x128xf32>
      %swap3A_296 = vector.shape_cast %broadcast_in_dim3A_290 : vector<1x128xf32> to vector<1x1x128xf32>
      tpu.vector_store %arg10[%swap3A_291, %swap3A_292, %swap3A_293], %swap3A_296 {strides = array<i32>} : memref<1x1000x128xf32, #tpu.memory_space<vmem>>, vector<1x1x128xf32>,
      scf.yield %select_n3A_237 : vector<1x48x128xf32>
    }
    %scan3A_171 = arith.constant 1000 : i32
    return
  }
  func.func @transform_0(%arg0: i32) -> (i32, i32, i32, i32) {
    %c0_i32 = arith.constant 0 : i32
    %c0_i32_0 = arith.constant 0 : i32
    %c0_i32_1 = arith.constant 0 : i32
    %c0_i32_2 = arith.constant 0 : i32
    return %arg0, %c0_i32, %c0_i32_0, %c0_i32_1 : i32, i32, i32, i32
  }
  func.func @transform_1(%arg0: i32) -> (i32, i32, i32, i32) {
    %c0_i32 = arith.constant 0 : i32
    %c0_i32_0 = arith.constant 0 : i32
    %c0_i32_1 = arith.constant 0 : i32
    %c0_i32_2 = arith.constant 0 : i32
    return %arg0, %c0_i32, %c0_i32_0, %c0_i32_1 : i32, i32, i32, i32
  }
  func.func @transform_2(%arg0: i32) -> (i32, i32, i32, i32) {
    %c0_i32 = arith.constant 0 : i32
    %c0_i32_0 = arith.constant 0 : i32
    %c0_i32_1 = arith.constant 0 : i32
    %c0_i32_2 = arith.constant 0 : i32
    return %arg0, %c0_i32, %c0_i32_0, %c0_i32_1 : i32, i32, i32, i32
  }
  func.func @transform_3(%arg0: i32) -> (i32, i32, i32, i32) {
    %c0_i32 = arith.constant 0 : i32
    %c0_i32_0 = arith.constant 0 : i32
    %c0_i32_1 = arith.constant 0 : i32
    %c0_i32_2 = arith.constant 0 : i32
    return %arg0, %c0_i32, %c0_i32_0, %c0_i32_1 : i32, i32, i32, i32
  }
  func.func @transform_4(%arg0: i32) -> (i32, i32, i32, i32) {
    %c0_i32 = arith.constant 0 : i32
    %c0_i32_0 = arith.constant 0 : i32
    %c0_i32_1 = arith.constant 0 : i32
    %c0_i32_2 = arith.constant 0 : i32
    return %arg0, %c0_i32, %c0_i32_0, %c0_i32_1 : i32, i32, i32, i32
  }
  func.func @transform_5(%arg0: i32) -> (i32, i32, i32) {
    %c0_i32 = arith.constant 0 : i32
    %c0_i32_0 = arith.constant 0 : i32
    %c0_i32_1 = arith.constant 0 : i32
    return %arg0, %c0_i32, %c0_i32_0 : i32, i32, i32
  }
  func.func @transform_6(%arg0: i32) -> (i32, i32, i32) {
    %c0_i32 = arith.constant 0 : i32
    %c0_i32_0 = arith.constant 0 : i32
    %c0_i32_1 = arith.constant 0 : i32
    return %arg0, %c0_i32, %c0_i32_0 : i32, i32, i32
  }
  func.func @transform_7(%arg0: i32) -> (i32, i32, i32) {
    %c0_i32 = arith.constant 0 : i32
    %c0_i32_0 = arith.constant 0 : i32
    %c0_i32_1 = arith.constant 0 : i32
    return %arg0, %c0_i32, %c0_i32_0 : i32, i32, i32
  }
  func.func @transform_8(%arg0: i32) -> (i32, i32, i32) {
    %c0_i32 = arith.constant 0 : i32
    %c0_i32_0 = arith.constant 0 : i32
    %c0_i32_1 = arith.constant 0 : i32
    return %arg0, %c0_i32, %c0_i32_0 : i32, i32, i32
  }
  func.func @transform_9(%arg0: i32) -> (i32, i32, i32) {
    %c0_i32 = arith.constant 0 : i32
    %c0_i32_0 = arith.constant 0 : i32
    %c0_i32_1 = arith.constant 0 : i32
    return %arg0, %c0_i32, %c0_i32_0 : i32, i32, i32
  }
}

</mosaic_0001>

<sc_bundles>
// kernel: kernel.5.cloned.1.call-start
scs
__scs_entry_jumppad:
0x0: {  	(pc) =	sbr.rel $0x88, $3  }
0x1: {  	(tag) =	ssettag $0x0;
	lr =	simm.s32 $0x1  }
0x2: {  	[smem:$0x3F9E] =	sst lr;
	_ =	strace $0xD0000000  }
0x3: {  	_ = 	snop  }
0x4: {  	_ = 	snop  }
0x5: {  	_ = 	snop  }
0x6: {  	_ = 	snop  }
0x7: {  	_ = 	snop  }
__scs_overlays_trampoline_lowered:
0x8: {  	[smem:$0x3FAD] =	sst s0  }
0x9: {  	[smem:$0x3FAE] =	sst s1  }
0xa: {  	[smem:$0x3FAF] =	sst s2  }
0xb: {  	[smem:$0x3FB0] =	sst s3  }
0xc: {  	[smem:$0x3FB1] =	sst s4  }
0xd: {  	[smem:$0x3FB2] =	sst s5  }
0xe: {  	[smem:$0x3FB3] =	sst s6  }
0xf: {  	[smem:$0x3FB4] =	sst s7  }
0x10: {  	[smem:$0x3FB5] =	sst s8  }
0x11: {  	[smem:$0x3FB6] =	sst s9;
	s0 =	simm.s32 @!p0 $0x0  }
0x12: {  	s1 =	sld [smem:$0x3F9C];
	s0 =	simm.s32 @p0 $0x1  }
0x13: {  	[smem:$0x3FB7] =	sst s0;
	s0 =	simm.s32 @!p1 $0x0  }
0x14: {  	s2 =	sld [smem:$0x3F9B];
	s0 =	simm.s32 @p1 $0x1  }
0x15: {  	[smem:$0x3FB8] =	sst s0;
	s0 =	simm.s32 @!p2 $0x0  }
0x16: {  	s3 =	sld [smem:$0x3FDB];
	s0 =	simm.s32 @p2 $0x1  }
0x17: {  	s4 =	simm.s32 $0x1BF5;
	[smem:$0x3FBA] =	sst s0  }
0x18: {  	s0 =	sld [smem:$0x3F9D];
	_ =	swait.ge [sflag:s4], $0x0  }
0x19: {  	s7 =	sld [smem:$0x3F9E]  }
0x1a: {  	s8 =	sadd.s32 $0xFFFFE003, lr  }
0x1b: {  	s9 =	sadd.s32 $0xFFFFFEF7, lr;
	s5 =	simm.s32 $0xFFFFFFFF;
	p2 =	slt.u32 s8, $0xFFFFF086  }
0x1c: {  	p1 =	slt.u32 s9, $0xF7A;
	s5 =	simm.s32 @!p2 $0x0  }
0x1d: {  	s5 =	simm.s32 @p1 $0x1;
	p0 =	seq.s32 s7, s2  }
0x1e: {  	s7 =	smul.u32 @!p0 $0xF7A, s2;
	p2 =	seq.s32 @!p0 s5, $0x0  }
0x1f: {  	s9 =	smul.u32 $0xF7A, s1;
	s8 =	simm.s32 @!p0 $0x1BF5;
	p2 =	por !p2, p0  }
0x20: {  	[sflag:s8] =	ssyncset.s32 @!p0 $0xFFFFF086;
	s6 =	sadd.s32 @!p0 s3, s7;
	s7 =	simm.s32 @!p0 $0x108  }
0x21: {  	s3 =	sadd.s32 s3, s9;
	s6 =	sadd.s32 @!p0 $0x88, s6;
	s7 =	simm.s32 @p2 $0x1082  }
0x22: {  	[simem:s7], [sflag:s8] =	dma.local @!p0 [hbm:s6], $0xF7A  }
0x23: {  	s9 =	sor.u32 $0xD0000000, s2;
	s6 =	simm.s32 $0x108;
	_ =	swait.ge @!p0 [sflag:s8], $0x0  }
0x24: {  	s3 =	sadd.s32 $0x88, s3;
	s6 =	simm.s32 @!p1 $0x1082;
	[sflag:s4] =	ssyncset.s32 $0xFFFFF086  }
0x25: {  	[simem:s6], [sflag:s4] =	dma.local [hbm:s3], $0xF7A  }
0x26: {  	[smem:$0x3F9E] =	sst s1;
	(tag) =	ssettag s2;
	_ =	strace s9  }
0x27: {  	s1 =	sld [smem:$0x3FAE]  }
0x28: {  	s2 =	sld [smem:$0x3FAF]  }
0x29: {  	s4 =	sld [smem:$0x3FB1]  }
0x2a: {  	p0 =	seq.s32 s5, $0x0;
	s5 =	sld [smem:$0x3FB2]  }
0x2b: {  	s6 =	sld [smem:$0x3FB3]  }
0x2c: {  	s7 =	sld [smem:$0x3FB4]  }
0x2d: {  	s3 =	simm.s32 $0x108;
	s8 =	sld [smem:$0x3FB5]  }
0x2e: {  	s3 =	simm.s32 @!p0 $0x1082;
	s9 =	sld [smem:$0x3FB6]  }
0x2f: {  	lr =	sadd.s32 s0, s3;
	s0 =	sld [smem:$0x3FAD]  }
0x30: {  	s3 =	sld [smem:$0x3FB0]  }
0x31: {  	[smem:$0x3FB9] =	sst s10  }
0x32: {  	s10 =	sld [smem:$0x3FB7];
	_ =	sdelay $0x3  }
0x33: {  	p0 =	seq.s32 s10, $0x1;
	s10 =	sld [smem:$0x3FB9];
	_ =	sdelay $0x3  }
0x34: {  	[smem:$0x3FB9] =	sst s10  }
0x35: {  	s10 =	sld [smem:$0x3FB8];
	_ =	sdelay $0x3  }
0x36: {  	p1 =	seq.s32 s10, $0x1;
	s10 =	sld [smem:$0x3FB9];
	_ =	sdelay $0x3  }
0x37: {  	[smem:$0x3FB9] =	sst s10  }
0x38: {  	s10 =	sld [smem:$0x3FBA]  }
0x39: {  	_ = 	snop;
	(pc) =	sbr.ind lr, $3  }
0x3a: {  	_ = 	snop  }
0x3b: {  	_ = 	snop  }
0x3c: {  	p2 =	seq.s32 s10, $0x1;
	s10 =	sld [smem:$0x3FB9]  }
0x3d: {  	_ =	shalt  }
0x3e: {  	_ =	shalt  }
0x3f: {  	_ =	shalt  }
0x40: {  	_ =	shalt  }
0x41: {  	_ =	shalt  }
0x42: {  	_ =	shalt  }
0x43: {  	_ =	shalt  }
0x44: {  	_ =	shalt  }
0x45: {  	_ =	shalt  }
0x46: {  	_ =	shalt  }
0x47: {  	_ =	shalt  }
0x48: {  	_ =	shalt  }
0x49: {  	_ =	shalt  }
0x4a: {  	_ =	shalt  }
0x4b: {  	_ =	shalt  }
0x4c: {  	_ =	shalt  }
0x4d: {  	_ =	shalt  }
0x4e: {  	_ =	shalt  }
0x4f: {  	_ =	shalt  }
0x50: {  	_ =	shalt  }
0x51: {  	_ =	shalt  }
0x52: {  	_ =	shalt  }
0x53: {  	_ =	shalt  }
0x54: {  	_ =	shalt  }
0x55: {  	_ =	shalt  }
0x56: {  	_ =	shalt  }
0x57: {  	_ =	shalt  }
0x58: {  	_ =	shalt  }
0x59: {  	_ =	shalt  }
0x5a: {  	_ =	shalt  }
0x5b: {  	_ =	shalt  }
0x5c: {  	_ =	shalt  }
0x5d: {  	_ =	shalt  }
0x5e: {  	_ =	shalt  }
0x5f: {  	_ =	shalt  }
0x60: {  	_ =	shalt  }
0x61: {  	_ =	shalt  }
0x62: {  	_ =	shalt  }
0x63: {  	_ =	shalt  }
0x64: {  	_ =	shalt  }
0x65: {  	_ =	shalt  }
0x66: {  	_ =	shalt  }
0x67: {  	_ =	shalt  }
0x68: {  	_ =	shalt  }
0x69: {  	_ =	shalt  }
0x6a: {  	_ =	shalt  }
0x6b: {  	_ =	shalt  }
0x6c: {  	_ =	shalt  }
0x6d: {  	_ =	shalt  }
0x6e: {  	_ =	shalt  }
0x6f: {  	_ =	shalt  }
0x70: {  	_ =	shalt  }
0x71: {  	_ =	shalt  }
0x72: {  	_ =	shalt  }
0x73: {  	_ =	shalt  }
0x74: {  	_ =	shalt  }
0x75: {  	_ =	shalt  }
0x76: {  	_ =	shalt  }
0x77: {  	_ =	shalt  }
0x78: {  	_ =	shalt  }
0x79: {  	_ =	shalt  }
0x7a: {  	_ =	shalt  }
0x7b: {  	_ =	shalt  }
0x7c: {  	_ =	shalt  }
0x7d: {  	_ =	shalt  }
0x7e: {  	_ =	shalt  }
0x7f: {  	_ =	shalt  }
0x80: {  	_ =	shalt  }
0x81: {  	_ =	shalt  }
0x82: {  	_ =	shalt  }
0x83: {  	_ =	shalt  }
0x84: {  	_ =	shalt  }
0x85: {  	_ =	shalt  }
0x86: {  	_ =	shalt  }
0x87: {  	_ =	shalt  }
.Lfunc_end0:
.L_simem_size_0:
called_computation_lowered:
.L_overlay_start_0:
0x88: {  	s2 =	sld [smem:$0x3FD9]  }
0x89: {  	s3 =	sld [smem:$0x3FFE];
	_ =	sdelay $0x1  }
0x8a: {  	s1 =	srdreg.scid  }
0x8b: {  	s0 =	sand.u32 $0x1, s1  }
0x8c: {  	s16 =	sshll.u32 s0, $0xA;
	s2 =	sadd.s32 s3, s2  }
0x8d: {  	s2 =	sadd.s32 s2, s16  }
0x8e: {  	[smem:$0x3FC5] =	sst s2  }
0x8f: {  	_ = 	snop  }
0x90: {  	(tm) =	ssettm $0x1  }
0x91: {  	s17 =	sld [smem:$0x3FFB];
	_ =	sdelay $0x3  }
0x92: {  	_ =	strace s17  }
0x93: {  	s2 =	sld [smem:$0x3FFC];
	_ =	sdelay $0x3  }
0x94: {  	_ =	strace s2  }
0x95: {  	s2 =	sld [smem:$0x3FFD];
	_ =	sdelay $0x3  }
0x96: {  	_ =	strace s2  }
0x97: {  	_ =	strace $0x8FFFFFFF  }
0x98: {  	s18 =	sld [smem:$0x3FDB];
	_ =	sdelay $0x1  }
0x99: {  	s19 =	simm.s32 $_scs_section_size  }
0x9a: {  	s4 =	simm.s32 $_size__tile_overlayer_lowered;
	s5 =	simm.s32 $_tile_overlayer_lowered  }
0x9b: {  	s22 =	simm.s32 $0x1BFF;
	s21 =	sshll.u32 s5, $0x1;
	s2 =	sadd.s32 s19, s18  }
0x9c: {  	s6 =	simm.s32 $0x0;
	s20 =	sshll.u32 s4, $0x1;
	s4 =	sadd.s32 s21, s2  }
0x9d: {  	[timem:s6], [sflag:s22] =	dma.local [hbm:s4], s20  }
0x9e: {  	_ =	swait.ge [sflag:s22], s20  }
0x9f: {  	s3 =	ssub.s32 $0x0, s20;
	[sflag:s22] =	ssyncset.done $0x0  }
0xa0: {  	[sflag:s22] =	ssyncadd.s32 s3;
	_ =	sdelay $0x1  }
0xa1: {  	s23 =	simm.s32 $0x1B8B  }
0xa2: {  	_ =	swait.ge [sflag:s23], $0x1  }
0xa3: {  	[sflag:s23] =	ssyncset.done $0x0  }
0xa4: {  	s25 =	simm.s32 $0x1B8E;
	s24 =	sld [smem:$0x3FFE];
	[sflag:s23] =	ssyncadd.s32 $0xFFFFFFFF  }
0xa5: {  	s26 =	simm.s32 $execute0_lowered;
	[smem:$0x3FD2] =	sst s25  }
0xa6: {  	s4 =	sshll.u32 s26, $0x1;
	_ =	strace $0x80000046;
	[dreg:$0x1] =	wrdreg $0xFFFFFFFF  }
0xa7: {  	s28 =	simm.s32 $_size_execute0_lowered;
	s2 =	sadd.s32 s2, s4;
	[dreg:$0x0] =	wrdreg $0x0  }
0xa8: {  	s4 =	sshll.u32 s28, $0x1;
	[dreg:$0x2] =	wrdreg s2  }
0xa9: {  	[dreg:$0x3] =	wrdreg s4  }
0xaa: {  	[dreg:$0x4] =	wrdreg $0xC0  }
0xab: {  	_ =	task [dreg:s6], $0x5FFFF  }
0xac: {  	[dreg:$0x1] =	wrdreg $0xFFFFFFFF  }
0xad: {  	[dreg:$0x0] =	wrdreg $0x60  }
0xae: {  	[dreg:$0x2] =	wrdreg s24  }
0xaf: {  	[dreg:$0x3] =	wrdreg $0x9  }
0xb0: {  	_ =	task.clear_ibuf [dreg:s6], $0x4FFFF;
	_ =	strace $0x90000046  }
0xb1: {  	s29 =	simm.s32 $0x9;
	_ =	strace $0x80000048  }
0xb2: {  	_ =	swait.ge [sflag:s29], $0x1  }
0xb3: {  	[sflag:s29] =	ssyncadd.s32 $0xFFFFFFFF  }
0xb4: {  	_ =	strace $0x90000048  }
0xb5: {  	_ =	sfence  }
0xb6: {  	s30 =	sld [smem:$0x0];
	_ =	sdelay $0x2  }
0xb7: {  	s31 =	sshll.u32 s1, $0xD;
	s1 =	sshrl.u32 s1, $0x2  }
0xb8: {  	s3 =	sand.u32 $0x4000, s31;
	s1 =	sadd.s32 s1, s30  }
0xb9: {  	s0 =	sor.u32 s3, s0;
	s1 =	sshll.u32 s1, $0x11  }
0xba: {  	s0 =	sor.u32 s1, s0  }
0xbb: {  	s0 =	sadd.s32 $0x8F2B, s0  }
0xbc: {  	[sflag:s0] =	ssyncadd.remote.s32 $0x1  }
0xbd: {  	_ =	sfence.sel $0xFFFF  }
0xbe: {  	[dreg:$0x0] =	wrdreg $0xFFFFFFFF;
	(pc) =	sbr.abs _section_cstart, $3  }
0xbf: {  	[dreg:$0x1] =	wrdreg $0xFFFFFFFF  }
0xc0: {  	_ =	task.clear_ibuf [dreg:s6], $0x2FFFF;
	_ =	strace $0x9FFFFFFF  }
0xc1: {  	(tm) =	ssettm $0x7FFFFFFF  }
tec
execute0_lowered:
.L_overlay_start_1:
0x0: {  	(tag) =	ssettag $0x1  }
0x1: {  	s0 =	stileid.u32  }
0x2: {  	s1 =	srdreg.scid;
	s3 =	rddreg [dreg:$0x0]  }
0x3: {  	s15 =	simm.s32 $0x80;
	s16 =	simm.s32 $0x200;
	s17 =	simm.s32 $0x1  }
0x4: {  	s18 =	simm.s32 $0xA00;
	s19 =	simm.s32 $0x1400;
	s20 =	simm.s32 $0x1E00  }
0x5: {  	s21 =	simm.s32 $0x2800;
	s22 =	simm.s32 $0x3200;
	s23 =	simm.s32 $0x3C00  }
0x6: {  	s24 =	simm.s32 $0x5400;
	s25 =	simm.s32 $0x6C00;
	s26 =	simm.s32 $0x8400  }
0x7: {  	s28 =	simm.s32 $0x9C00;
	s29 =	simm.s32 $0x400;
	s30 =	simm.s32 $0x0  }
0x8: {  	s2 =	sshll.u32 s0, $0x1;
	s1 =	sand.u32 $0x1, s1;
	s5 =	sshrl.u32 s0, $0x2  }
0x9: {  	s2 =	sand.u32 $0x6, s2;
	s7 =	smul.u32 $0xC000, s5;
	s5 =	sshll.u32 s5, $0x7  }
0xa: {  	s4 =	sor.u32 s1, s2;
	s2 =	simm.s32 $0x0;
	s1 =	ssub.s32 $0x2, s1  }
0xb: {  	s6 =	smul.u32 $0x2800, s4;
	[smem:$0x7FF] =	sst s2;
	s4 =	sshll.u32 s4, $0x7  }
0xc: {  	s31 =	sshrl.u32 s1, $0x1;
	_ =	strace $0x80000047;
	s4 =	sor.u32 s7, s4  }
0xd: {  	s1 =	ssub.s32 s1, s31;
	s5 =	sor.u32 s5, s6;
	s4 =	sshrl.u32 s4, $0x3  }
0xe: {  	s14 =	smax.u32 s1, $0x1;
	s5 =	sshrl.u32 s5, $0x3;
	s13 =	sadd.s32 s4, s3  }
0xf: {  	s8 =	sadd.s32 s5, s3;
	s9 =	sadd.s32 $0x11000, s13;
	s10 =	sadd.s32 $0x17000, s13  }
0x10: {  	s11 =	sadd.s32 $0x1D000, s13;
	s12 =	sadd.s32 $0x23000, s13;
	s13 =	sadd.s32 $0x29000, s13  }
0x11: {  	s3 =	sadd.s32 $0x2000, s8;
	s4 =	sadd.s32 $0x4800, s8;
	s5 =	sadd.s32 $0x7000, s8  }
0x12: {  	v0 =	vimm.f32 $0.0e+00;
	s6 =	sadd.s32 $0x9800, s8;
	s7 =	sadd.s32 $0xC000, s8;
	s8 =	sadd.s32 $0xE800, s8  }
.LBB2_1:
0x13: {  	[tilespmem:s2], [sflag:$0x1] =	stream.strided.gather [hbm4b:s3+s15], $0xA00, s16, s15, $0x38;
	[tilespmem:$0xB400] =	vst v63  }
0x14: {  	_ =	swait.ge [sflag:s17], $0xA00  }
0x15: {  	[sflag:s17] =	ssyncset.done $0x0  }
0x16: {  	[sflag:s17] =	ssyncadd.s32 $0xFFFFF600  }
0x17: {  	[tilespmem:s18], [sflag:$0x1] =	stream.strided.gather [hbm4b:s4+s15], $0xA00, s16, s15, $0x38;
	[tilespmem:$0xB400] =	vst v63  }
0x18: {  	_ =	swait.ge [sflag:s17], $0xA00  }
0x19: {  	[sflag:s17] =	ssyncset.done $0x0  }
0x1a: {  	[sflag:s17] =	ssyncadd.s32 $0xFFFFF600  }
0x1b: {  	[tilespmem:s19], [sflag:$0x1] =	stream.strided.gather [hbm4b:s5+s15], $0xA00, s16, s15, $0x38;
	[tilespmem:$0xB400] =	vst v63  }
0x1c: {  	_ =	swait.ge [sflag:s17], $0xA00  }
0x1d: {  	[sflag:s17] =	ssyncset.done $0x0  }
0x1e: {  	[sflag:s17] =	ssyncadd.s32 $0xFFFFF600  }
0x1f: {  	[tilespmem:s20], [sflag:$0x1] =	stream.strided.gather [hbm4b:s6+s15], $0xA00, s16, s15, $0x38;
	[tilespmem:$0xB400] =	vst v63  }
0x20: {  	_ =	swait.ge [sflag:s17], $0xA00  }
0x21: {  	[sflag:s17] =	ssyncset.done $0x0  }
0x22: {  	[sflag:s17] =	ssyncadd.s32 $0xFFFFF600  }
0x23: {  	[tilespmem:s21], [sflag:$0x1] =	stream.strided.gather [hbm4b:s7+s15], $0xA00, s16, s15, $0x38;
	[tilespmem:$0xB400] =	vst v63  }
0x24: {  	_ =	swait.ge [sflag:s17], $0xA00  }
0x25: {  	[sflag:s17] =	ssyncset.done $0x0  }
0x26: {  	[sflag:s17] =	ssyncadd.s32 $0xFFFFF600  }
0x27: {  	[tilespmem:s22], [sflag:$0x1] =	stream.strided.gather [hbm4b:s8+s15], $0xA00, s16, s15, $0x38;
	[tilespmem:$0xB400] =	vst v63  }
0x28: {  	_ =	swait.ge [sflag:s17], $0xA00  }
0x29: {  	[sflag:s17] =	ssyncset.done $0x0  }
0x2a: {  	s31 =	simm.s32 $0x40;
	s1 =	simm.s32 $0x0;
	[sflag:s17] =	ssyncadd.s32 $0xFFFFF600  }
.LBB2_2:
0x2b: {  	p0 =	sne.s32 s31, $0x5FC0;
	[tilespmem:s1+$0x9C00] =	vst v0;
	s0 =	smov.u32 s31;
	s31 =	sadd.s32 $0x40, s31  }
.Ltmp0:
0x2c: {  	[tilespmem:s1+$0x8400] =	vst v0;
	(pc) =	sbr.rel @p0 .LBB2_2-.Ltmp0, $4  }
0x2d: {  	[tilespmem:s1+$0x6C00] =	vst v0  }
0x2e: {  	[tilespmem:s1+$0x3C00] =	vst v0  }
0x2f: {  	[tilespmem:s1+$0x5400] =	vst v0  }
0x30: {  	s1 =	sshra.s32 s0, $0x2  }
0x31: {  	[tilespmem:s1+$0x9C00] =	vst v0  }
0x32: {  	[tilespmem:s1+$0x8400] =	vst v0  }
0x33: {  	[tilespmem:s1+$0x6C00] =	vst v0  }
0x34: {  	[tilespmem:s1+$0x3C00] =	vst v0  }
0x35: {  	[tilespmem:s1+$0x5400] =	vst v0;
	s31 =	simm.s32 $0x0;
	s1 =	simm.s32 $0x40  }
.LBB2_4:
0x36: {  	p0 =	sne.s32 s1, $0x27C0;
	v1 =	vld [tilespmem:s31+$0x0]  }
0x37: {  	v2 =	vld [tilespmem:s31+$0xA00];
	_ =	sdelay $0x3  }
0x38: {  	vm0 =	vgt.s32 v1, $0xFFFFFFFF;
	_ =	sdelay $0x5  }
0x39: {  	[tilespmem:v1+s23+$0x0] =	vst.idx.msk vm0, v2  }
0x3a: {  	v2 =	vld [tilespmem:s31+$0x1400];
	_ =	sdelay $0x4  }
0x3b: {  	[tilespmem:v1+s24+$0x0] =	vst.idx.msk vm0, v2  }
0x3c: {  	v2 =	vld [tilespmem:s31+$0x1E00];
	_ =	sdelay $0x4  }
0x3d: {  	[tilespmem:v1+s25+$0x0] =	vst.idx.msk vm0, v2  }
0x3e: {  	v2 =	vld [tilespmem:s31+$0x2800];
	_ =	sdelay $0x4  }
0x3f: {  	[tilespmem:v1+s26+$0x0] =	vst.idx.msk vm0, v2  }
0x40: {  	v2 =	vld [tilespmem:s31+$0x3200]  }
.Ltmp1:
0x41: {  	(pc) =	sbr.rel @p0 .LBB2_4-.Ltmp1, $2  }
0x42: {  	_ =	sdelay $0x2  }
0x43: {  	s31 =	sshra.s32 s1, $0x2;
	s1 =	sadd.s32 $0x40, s1;
	[tilespmem:v1+s28+$0x0] =	vst.idx.msk vm0, v2  }
0x44: {  	v1 =	vld [tilespmem:s31+$0x0];
	_ =	sdelay $0x4  }
0x45: {  	vm0 =	vgt.s32 v1, $0xFFFFFFFF  }
0x46: {  	v2 =	vld [tilespmem:s31+$0xA00];
	_ =	sdelay $0x4  }
0x47: {  	[tilespmem:v1+s23+$0x0] =	vst.idx.msk vm0, v2  }
0x48: {  	v2 =	vld [tilespmem:s31+$0x1400];
	_ =	sdelay $0x4  }
0x49: {  	[tilespmem:v1+s24+$0x0] =	vst.idx.msk vm0, v2  }
0x4a: {  	v2 =	vld [tilespmem:s31+$0x1E00];
	_ =	sdelay $0x4  }
0x4b: {  	[tilespmem:v1+s25+$0x0] =	vst.idx.msk vm0, v2  }
0x4c: {  	v2 =	vld [tilespmem:s31+$0x2800];
	_ =	sdelay $0x4  }
0x4d: {  	[tilespmem:v1+s26+$0x0] =	vst.idx.msk vm0, v2  }
0x4e: {  	v2 =	vld [tilespmem:s31+$0x3200];
	_ =	sdelay $0x4  }
0x4f: {  	[tilespmem:v1+s28+$0x0] =	vst.idx.msk vm0, v2  }
0x50: {  	[hbm4b:s9+s15] =	stream.strided.scatter [tilespmem:s23], [sflag:$0x1], $0x1800, s29, s15, $0x38;
	[tilespmem:$0xB400] =	vst v63  }
0x51: {  	_ =	swait.ge [sflag:s17], $0x1800  }
0x52: {  	[sflag:s17] =	ssyncset.done $0x0  }
0x53: {  	[sflag:s17] =	ssyncadd.s32 $0xFFFFE800  }
0x54: {  	[hbm4b:s10+s15] =	stream.strided.scatter [tilespmem:s24], [sflag:$0x1], $0x1800, s29, s15, $0x38;
	[tilespmem:$0xB400] =	vst v63  }
0x55: {  	_ =	swait.ge [sflag:s17], $0x1800  }
0x56: {  	[sflag:s17] =	ssyncset.done $0x0  }
0x57: {  	[sflag:s17] =	ssyncadd.s32 $0xFFFFE800  }
0x58: {  	[hbm4b:s11+s15] =	stream.strided.scatter [tilespmem:s25], [sflag:$0x1], $0x1800, s29, s15, $0x38;
	[tilespmem:$0xB400] =	vst v63  }
0x59: {  	_ =	swait.ge [sflag:s17], $0x1800  }
0x5a: {  	[sflag:s17] =	ssyncset.done $0x0  }
0x5b: {  	[sflag:s17] =	ssyncadd.s32 $0xFFFFE800  }
0x5c: {  	[hbm4b:s12+s15] =	stream.strided.scatter [tilespmem:s26], [sflag:$0x1], $0x1800, s29, s15, $0x38;
	[tilespmem:$0xB400] =	vst v63  }
0x5d: {  	s30 =	sadd.s32 $0x1, s30;
	_ =	swait.ge [sflag:s17], $0x1800  }
0x5e: {  	p0 =	sne.s32 s30, s14;
	[sflag:s17] =	ssyncset.done $0x0  }
.Ltmp2:
0x5f: {  	[sflag:s17] =	ssyncadd.s32 $0xFFFFE800;
	(pc) =	sbr.rel @p0 .LBB2_1-.Ltmp2, $4  }
0x60: {  	[hbm4b:s13+s15] =	stream.strided.scatter [tilespmem:s28], [sflag:$0x1], $0x1800, s29, s15, $0x38;
	[tilespmem:$0xB400] =	vst v63  }
0x61: {  	_ =	swait.ge [sflag:s17], $0x1800  }
0x62: {  	[sflag:s17] =	ssyncset.done $0x0  }
0x63: {  	[sflag:s17] =	ssyncadd.s32 $0xFFFFE800  }
0x64: {  	_ =	sfence.sel $0x180000  }
0x65: {  	[bflag:$0x0] =	sbarrier.arrive $0xFFFF  }
0x66: {  	_ =	strace $0x90000047  }
0x67: {  	s0 =	stileid.u32;
	[bflag:$0x2] =	sbarrier.arrive $0xFFFF  }
0x68: {  	p0 =	sne.s32 s0, $0x0;
	s0 =	rddreg [dreg:$0x1]  }
0x69: {  	s0 =	sadd.s32 @!p0 $0x100000, s0  }
0x6a: {  	[sflag:s0] =	ssyncadd.tile.s32 @!p0 $0x1;
	_ =	shalt  }
.Lfunc_end2:
_tile_overlayer_lowered:
.L_overlay_start_2:
0x6b: {  	(tag) =	ssettag $0x2  }
0x6c: {  	s0 =	rddreg [dreg:$0x0];
	s2 =	stileid.u32  }
0x6d: {  	s1 =	rddreg [dreg:$0x1];
	p0 =	sne.s32 s2, $0x0  }
0x6e: {  	s3 =	rddreg [dreg:$0x2];
	[bflag:$0x3] =	sbarrier.arrive $0xFFFF;
	s2 =	simm.s32 @!p0 $0x1C01  }
0x6f: {  	[timem:s3], [sflag:s2] =	dma.local @!p0 [hbm:s0], s1  }
0x70: {  	s0 =	simm.s32 @!p0 $0x1  }
0x71: {  	_ =	swait.ge @!p0 [sflag:s0], s1  }
0x72: {  	s1 =	ssub.s32 @!p0 $0x0, s1;
	[sflag:s0] =	ssyncset.done @!p0 $0x0  }
0x73: {  	[sflag:s0] =	ssyncadd.s32 @!p0 s1  }
0x74: {  	[bflag:$0x3] =	sbarrier.arrive $0xFFFF  }
0x75: {  	_ =	shalt  }

</sc_bundles>
